<compile_context>
chip_gen: v7x
topology: tpu7x:2x2x1
jax: 0.10.2.dev20260603
libtpu: 0.0.44.dev20260713+nightly
codegen_flags: <defaults>
</compile_context>

<pallas_src>
import functools

import jax
import jax.numpy as jnp
from jax import lax
from jax.experimental import pallas as pl
from jax.experimental.pallas import tpu as pltpu
from jax.experimental.pallas import tpu_sc as plsc

_BINS = (1, 2, 3, 4, 8, 16, 32, 64)
_NUM_EMB = 9
_DIM = 20
_N = 16384

_NC = 2
_NS = 16
_NW = _NC * _NS
_BPW = _N // _NW
_L = 16
_TAB_PAD = 256
_NCHUNK = 4
_RPC = _BPW // _NCHUNK
_GPC = _BPW // _L // _NCHUNK


def _sc_body(len_hbm, tab_hbm, out_hbm, len_v, tab_v, out_v, sem, isem):
    wid = lax.axis_index("s") * _NC + lax.axis_index("c")
    base = wid * _BPW

    in1 = pltpu.async_copy(len_hbm.at[pl.ds(base, _BPW)], len_v, isem)
    in2 = pltpu.async_copy(tab_hbm, tab_v.at[pl.ds(0, _NUM_EMB * _DIM)], sem)
    in1.wait()
    in2.wait()

    lane = lax.iota(jnp.int32, _L)

    def _chunk(j, carry):
        @plsc.parallel_loop(j * _GPC, (j + 1) * _GPC, step=1, unroll=2)
        def _group(g):
            lens = len_v[pl.ds(g * _L, _L)]
            acc = jnp.zeros((_L,), jnp.int32)
            for b in _BINS:
                acc = acc + jnp.where(lens > b, 1, 0).astype(jnp.int32)
            pos = acc * _DIM
            elem = lane + g * _L
            for d in range(_DIM):
                vals = plsc.load_gather(tab_v, [pos + d])
                plsc.store_scatter(out_v, [elem, jnp.full((_L,), d, jnp.int32)], vals)

        pltpu.async_copy(
            out_v.at[pl.ds(j * _RPC, _RPC)],
            out_hbm.at[pl.ds(base + j * _RPC, _RPC)],
            sem,
        )
        return carry

    lax.fori_loop(0, _NCHUNK, _chunk, 0)
    for j in range(_NCHUNK):
        pltpu.make_async_copy(
            out_v.at[pl.ds(j * _RPC, _RPC)],
            out_hbm.at[pl.ds(base + j * _RPC, _RPC)],
            sem,
        ).wait()


@functools.partial(
    pl.kernel,
    out_type=jax.ShapeDtypeStruct((_N, _DIM), jnp.float32),
    mesh=plsc.VectorSubcoreMesh(core_axis_name="c", subcore_axis_name="s"),
    compiler_params=pltpu.CompilerParams(needs_layout_passes=False),
    scratch_types=[
        pltpu.VMEM((_BPW,), jnp.int32),
        pltpu.VMEM((_TAB_PAD,), jnp.float32),
        pltpu.VMEM((_BPW, _DIM), jnp.float32),
        pltpu.SemaphoreType.DMA,
        pltpu.SemaphoreType.DMA,
    ],
)
def _sc_lookup(len_hbm, tab_hbm, out_hbm, len_v, tab_v, out_v, sem, isem):
    _sc_body(len_hbm, tab_hbm, out_hbm, len_v, tab_v, out_v, sem, isem)


def kernel(lengths, table):
    return _sc_lookup(lengths.astype(jnp.int32), table.reshape(-1))

# --- scband reference (transcript-rebuilt; emitter-appended) ---
"""Pipeline reference for scband-distance-65103114273464 (READ-ONLY COPY).

The authoritative reference and input builder live on the scoring server;
editing this copy changes nothing except your own understanding.
"""

import jax, jax.numpy as jnp
import numpy as np

BINS = jnp.array([1, 2, 3, 4, 8, 16, 32, 64], dtype=jnp.int64)
NUM_EMB = 9  # len(bins) + 1
DIM = 20
N = 16384


def setup_inputs(seed: int = 0) -> dict:
    key = jax.random.key(seed)
    k1, k2 = jax.random.split(key)
    lengths = jax.random.randint(k1, (N,), 0, 128, dtype=jnp.int64)
    table = jax.random.normal(k2, (NUM_EMB, DIM), dtype=jnp.float32)
    return {"lengths": lengths, "table": table}


def reference(lengths, table):
    # stoi: find which bin each length falls into
    idx = jnp.sum(lengths[:, None] > BINS[None, :].astype(lengths.dtype), axis=1)
    # embedding lookup (dropout is identity in eval mode)
    return jnp.take(table, idx, axis=0)

if __name__ == "__main__":
    import jax
    _d = setup_inputs()
    print(jax.jit(kernel)(*tuple(_d.values())))

</pallas_src>

<mosaic_0001>
#map = affine_map<(d0, d1) -> (0)>
#map1 = affine_map<(d0, d1) -> (0, 0)>
module attributes {stable_mosaic.version = 14 : i64} {
  func.func @_sc_lookup(%arg0: i32, %arg1: i32, %arg2: memref<16384xi32, #tpu.memory_space<hbm>>, %arg3: memref<180xf32, #tpu.memory_space<hbm>>, %arg4: memref<16384x20xf32, #tpu.memory_space<hbm>>, %arg5: memref<512xi32, #tpu.memory_space<vmem>>, %arg6: memref<256xf32, #tpu.memory_space<vmem>>, %arg7: memref<512x20xf32, #tpu.memory_space<vmem>>, %arg8: memref<!tpu.dma_semaphore, #tpu.memory_space<semaphore_mem>>, %arg9: memref<!tpu.dma_semaphore, #tpu.memory_space<semaphore_mem>>) attributes {dimension_semantics = [#tpu.dimension_semantics<core_parallel>, #tpu.dimension_semantics<subcore_parallel>], iteration_bounds = array<i64: 2, 16>, scalar_prefetch = 0 : i64, scratch_operands = 5 : i64, tpu.core_type = #tpu.core_type<sc_vector_subcore>, window_params = [{transform_indices = #map}, {transform_indices = #map}, {transform_indices = #map1}]} {
    %mul3A = arith.constant 2 : i32
    %mul3A_0 = arith.muli %arg1, %mul3A : i32
    %add3A = arith.addi %mul3A_0, %arg0 : i32
    %mul3A_1 = arith.constant 512 : i32
    %mul3A_2 = arith.muli %add3A, %mul3A_1 : i32
    %dma_start3A = tpu.memref_slice %arg2[%mul3A_2] : memref<16384xi32, #tpu.memory_space<hbm>> -> memref<512xi32, #tpu.memory_space<hbm>>
    %dma_start3A_3 = tpu.memref_slice %arg2[%mul3A_2] : memref<16384xi32, #tpu.memory_space<hbm>> -> memref<512xi32, #tpu.memory_space<hbm>>
    tpu.enqueue_dma source(%dma_start3A_3 : memref<512xi32, #tpu.memory_space<hbm>>) target(%arg5 : memref<512xi32, #tpu.memory_space<vmem>>) target_semaphore(%arg9 : memref<!tpu.dma_semaphore, #tpu.memory_space<semaphore_mem>>)
    %dma_start3A_4 = arith.constant 0 : i32
    %dma_start3A_5 = tpu.memref_slice %arg6[%dma_start3A_4] : memref<256xf32, #tpu.memory_space<vmem>> -> memref<180xf32, #tpu.memory_space<vmem>>
    %dma_start3A_6 = arith.constant 0 : i32
    %dma_start3A_7 = tpu.memref_slice %arg6[%dma_start3A_6] : memref<256xf32, #tpu.memory_space<vmem>> -> memref<180xf32, #tpu.memory_space<vmem>>
    tpu.enqueue_dma source(%arg3 : memref<180xf32, #tpu.memory_space<hbm>>) target(%dma_start3A_7 : memref<180xf32, #tpu.memory_space<vmem>>) target_semaphore(%arg8 : memref<!tpu.dma_semaphore, #tpu.memory_space<semaphore_mem>>)
    %dma_wait3A = tpu.memref_slice %arg2[%mul3A_2] : memref<16384xi32, #tpu.memory_space<hbm>> -> memref<512xi32, #tpu.memory_space<hbm>>
    %dma_wait3A_8 = tpu.memref_slice %arg2[%mul3A_2] : memref<16384xi32, #tpu.memory_space<hbm>> -> memref<512xi32, #tpu.memory_space<hbm>>
    tpu.wait_dma2 semaphore(%arg9 : memref<!tpu.dma_semaphore, #tpu.memory_space<semaphore_mem>>) src(%dma_wait3A_8 : memref<512xi32, #tpu.memory_space<hbm>>) dst(%arg5 : memref<512xi32, #tpu.memory_space<vmem>>)
    %dma_wait3A_9 = arith.constant 0 : i32
    %dma_wait3A_10 = tpu.memref_slice %arg6[%dma_wait3A_9] : memref<256xf32, #tpu.memory_space<vmem>> -> memref<180xf32, #tpu.memory_space<vmem>>
    %dma_wait3A_11 = arith.constant 0 : i32
    %dma_wait3A_12 = tpu.memref_slice %arg6[%dma_wait3A_11] : memref<256xf32, #tpu.memory_space<vmem>> -> memref<180xf32, #tpu.memory_space<vmem>>
    tpu.wait_dma2 semaphore(%arg8 : memref<!tpu.dma_semaphore, #tpu.memory_space<semaphore_mem>>) src(%arg3 : memref<180xf32, #tpu.memory_space<hbm>>) dst(%dma_wait3A_12 : memref<180xf32, #tpu.memory_space<vmem>>)
    %iota3A = tpu.iota {dimensions = array<i32: 0>} : vector<16xi32>
    %scan3A = arith.constant 0 : i32
    %scan3A_13 = arith.constant 0 : i32
    %scan3A_14 = arith.constant 4 : i32
    %scan3A_15 = arith.addi %scan3A_13, %scan3A_14 : i32
    %scan3A_16 = arith.constant 1 : i32
    scf.for %scan3A_66 = %scan3A_13 to %scan3A_15 step %scan3A_16  : i32 {
      %mul3A_67 = arith.constant 8 : i32
      %mul3A_68 = arith.muli %scan3A_66, %mul3A_67 : i32
      %add3A_69 = arith.constant 1 : i32
      %add3A_70 = arith.addi %scan3A_66, %add3A_69 : i32
      %mul3A_71 = arith.constant 8 : i32
      %mul3A_72 = arith.muli %add3A_70, %mul3A_71 : i32
      %parallel_loop3A = arith.constant 1 : i32
      scf.for %parallel_loop3A_86 = %mul3A_68 to %mul3A_72 step %parallel_loop3A  : i32 {
        %parallel_loop3A_87 = arith.constant 16 : i32
        %parallel_loop3A_88 = arith.muli %parallel_loop3A_86, %parallel_loop3A_87 : i32
        %parallel_loop3A_89 = arith.index_cast %parallel_loop3A_88 : i32 to index
        %parallel_loop3A_90 = tpu.vector_load %arg5[%parallel_loop3A_89] {strides = array<i32>} : memref<512xi32, #tpu.memory_space<vmem>>, vector<16xi32>,
        %parallel_loop3A_91 = arith.constant 0 : i32
        %parallel_loop3A_92 = vector.broadcast %parallel_loop3A_91 : i32 to vector<16xi32>
        %parallel_loop3A_93 = arith.constant 1 : i32
        %parallel_loop3A_94 = vector.broadcast %parallel_loop3A_93 : i32 to vector<16xi32>
        %parallel_loop3A_95 = arith.cmpi sgt, %parallel_loop3A_90, %parallel_loop3A_94 : vector<16xi32>
        %parallel_loop3A_96 = arith.constant 1 : i32
        %parallel_loop3A_97 = arith.constant 0 : i32
        %parallel_loop3A_98 = vector.broadcast %parallel_loop3A_96 : i32 to vector<16xi32>
        %parallel_loop3A_99 = vector.broadcast %parallel_loop3A_97 : i32 to vector<16xi32>
        %parallel_loop3A_100 = arith.select %parallel_loop3A_95, %parallel_loop3A_98, %parallel_loop3A_99 : vector<16xi1>, vector<16xi32>
        %parallel_loop3A_101 = arith.addi %parallel_loop3A_92, %parallel_loop3A_100 : vector<16xi32>
        %parallel_loop3A_102 = arith.constant 2 : i32
        %parallel_loop3A_103 = vector.broadcast %parallel_loop3A_102 : i32 to vector<16xi32>
        %parallel_loop3A_104 = arith.cmpi sgt, %parallel_loop3A_90, %parallel_loop3A_103 : vector<16xi32>
        %parallel_loop3A_105 = arith.constant 1 : i32
        %parallel_loop3A_106 = arith.constant 0 : i32
        %parallel_loop3A_107 = vector.broadcast %parallel_loop3A_105 : i32 to vector<16xi32>
        %parallel_loop3A_108 = vector.broadcast %parallel_loop3A_106 : i32 to vector<16xi32>
        %parallel_loop3A_109 = arith.select %parallel_loop3A_104, %parallel_loop3A_107, %parallel_loop3A_108 : vector<16xi1>, vector<16xi32>
        %parallel_loop3A_110 = arith.addi %parallel_loop3A_101, %parallel_loop3A_109 : vector<16xi32>
        %parallel_loop3A_111 = arith.constant 3 : i32
        %parallel_loop3A_112 = vector.broadcast %parallel_loop3A_111 : i32 to vector<16xi32>
        %parallel_loop3A_113 = arith.cmpi sgt, %parallel_loop3A_90, %parallel_loop3A_112 : vector<16xi32>
        %parallel_loop3A_114 = arith.constant 1 : i32
        %parallel_loop3A_115 = arith.constant 0 : i32
        %parallel_loop3A_116 = vector.broadcast %parallel_loop3A_114 : i32 to vector<16xi32>
        %parallel_loop3A_117 = vector.broadcast %parallel_loop3A_115 : i32 to vector<16xi32>
        %parallel_loop3A_118 = arith.select %parallel_loop3A_113, %parallel_loop3A_116, %parallel_loop3A_117 : vector<16xi1>, vector<16xi32>
        %parallel_loop3A_119 = arith.addi %parallel_loop3A_110, %parallel_loop3A_118 : vector<16xi32>
        %parallel_loop3A_120 = arith.constant 4 : i32
        %parallel_loop3A_121 = vector.broadcast %parallel_loop3A_120 : i32 to vector<16xi32>
        %parallel_loop3A_122 = arith.cmpi sgt, %parallel_loop3A_90, %parallel_loop3A_121 : vector<16xi32>
        %parallel_loop3A_123 = arith.constant 1 : i32
        %parallel_loop3A_124 = arith.constant 0 : i32
        %parallel_loop3A_125 = vector.broadcast %parallel_loop3A_123 : i32 to vector<16xi32>
        %parallel_loop3A_126 = vector.broadcast %parallel_loop3A_124 : i32 to vector<16xi32>
        %parallel_loop3A_127 = arith.select %parallel_loop3A_122, %parallel_loop3A_125, %parallel_loop3A_126 : vector<16xi1>, vector<16xi32>
        %parallel_loop3A_128 = arith.addi %parallel_loop3A_119, %parallel_loop3A_127 : vector<16xi32>
        %parallel_loop3A_129 = arith.constant 8 : i32
        %parallel_loop3A_130 = vector.broadcast %parallel_loop3A_129 : i32 to vector<16xi32>
        %parallel_loop3A_131 = arith.cmpi sgt, %parallel_loop3A_90, %parallel_loop3A_130 : vector<16xi32>
        %parallel_loop3A_132 = arith.constant 1 : i32
        %parallel_loop3A_133 = arith.constant 0 : i32
        %parallel_loop3A_134 = vector.broadcast %parallel_loop3A_132 : i32 to vector<16xi32>
        %parallel_loop3A_135 = vector.broadcast %parallel_loop3A_133 : i32 to vector<16xi32>
        %parallel_loop3A_136 = arith.select %parallel_loop3A_131, %parallel_loop3A_134, %parallel_loop3A_135 : vector<16xi1>, vector<16xi32>
        %parallel_loop3A_137 = arith.addi %parallel_loop3A_128, %parallel_loop3A_136 : vector<16xi32>
        %parallel_loop3A_138 = arith.constant 16 : i32
        %parallel_loop3A_139 = vector.broadcast %parallel_loop3A_138 : i32 to vector<16xi32>
        %parallel_loop3A_140 = arith.cmpi sgt, %parallel_loop3A_90, %parallel_loop3A_139 : vector<16xi32>
        %parallel_loop3A_141 = arith.constant 1 : i32
        %parallel_loop3A_142 = arith.constant 0 : i32
        %parallel_loop3A_143 = vector.broadcast %parallel_loop3A_141 : i32 to vector<16xi32>
        %parallel_loop3A_144 = vector.broadcast %parallel_loop3A_142 : i32 to vector<16xi32>
        %parallel_loop3A_145 = arith.select %parallel_loop3A_140, %parallel_loop3A_143, %parallel_loop3A_144 : vector<16xi1>, vector<16xi32>
        %parallel_loop3A_146 = arith.addi %parallel_loop3A_137, %parallel_loop3A_145 : vector<16xi32>
        %parallel_loop3A_147 = arith.constant 32 : i32
        %parallel_loop3A_148 = vector.broadcast %parallel_loop3A_147 : i32 to vector<16xi32>
        %parallel_loop3A_149 = arith.cmpi sgt, %parallel_loop3A_90, %parallel_loop3A_148 : vector<16xi32>
        %parallel_loop3A_150 = arith.constant 1 : i32
        %parallel_loop3A_151 = arith.constant 0 : i32
        %parallel_loop3A_152 = vector.broadcast %parallel_loop3A_150 : i32 to vector<16xi32>
        %parallel_loop3A_153 = vector.broadcast %parallel_loop3A_151 : i32 to vector<16xi32>
        %parallel_loop3A_154 = arith.select %parallel_loop3A_149, %parallel_loop3A_152, %parallel_loop3A_153 : vector<16xi1>, vector<16xi32>
        %parallel_loop3A_155 = arith.addi %parallel_loop3A_146, %parallel_loop3A_154 : vector<16xi32>
        %parallel_loop3A_156 = arith.constant 64 : i32
        %parallel_loop3A_157 = vector.broadcast %parallel_loop3A_156 : i32 to vector<16xi32>
        %parallel_loop3A_158 = arith.cmpi sgt, %parallel_loop3A_90, %parallel_loop3A_157 : vector<16xi32>
        %parallel_loop3A_159 = arith.constant 1 : i32
        %parallel_loop3A_160 = arith.constant 0 : i32
        %parallel_loop3A_161 = vector.broadcast %parallel_loop3A_159 : i32 to vector<16xi32>
        %parallel_loop3A_162 = vector.broadcast %parallel_loop3A_160 : i32 to vector<16xi32>
        %parallel_loop3A_163 = arith.select %parallel_loop3A_158, %parallel_loop3A_161, %parallel_loop3A_162 : vector<16xi1>, vector<16xi32>
        %parallel_loop3A_164 = arith.addi %parallel_loop3A_155, %parallel_loop3A_163 : vector<16xi32>
        %parallel_loop3A_165 = arith.constant 20 : i32
        %parallel_loop3A_166 = vector.broadcast %parallel_loop3A_165 : i32 to vector<16xi32>
        %parallel_loop3A_167 = arith.muli %parallel_loop3A_164, %parallel_loop3A_166 : vector<16xi32>
        %parallel_loop3A_168 = arith.constant 16 : i32
        %parallel_loop3A_169 = arith.muli %parallel_loop3A_86, %parallel_loop3A_168 : i32
        %parallel_loop3A_170 = vector.broadcast %parallel_loop3A_169 : i32 to vector<16xi32>
        %parallel_loop3A_171 = arith.addi %iota3A, %parallel_loop3A_170 : vector<16xi32>
        %parallel_loop3A_172 = arith.constant 0 : i32
        %parallel_loop3A_173 = vector.broadcast %parallel_loop3A_172 : i32 to vector<16xi32>
        %parallel_loop3A_174 = arith.addi %parallel_loop3A_167, %parallel_loop3A_173 : vector<16xi32>
        %parallel_loop3A_175 = tpu.vector_load_idx %arg6[%parallel_loop3A_174] : memref<256xf32, #tpu.memory_space<vmem>>[vector<16xi32>], vector<16xf32>,
        %parallel_loop3A_176 = arith.constant 0 : i32
        %parallel_loop3A_177 = vector.broadcast %parallel_loop3A_176 : i32 to vector<16xi32>
        tpu.vector_store_idx %arg7[%parallel_loop3A_171, %parallel_loop3A_177], %parallel_loop3A_175 : memref<512x20xf32, #tpu.memory_space<vmem>>[vector<16xi32>, vector<16xi32>], vector<16xf32>,
        %parallel_loop3A_178 = arith.constant 1 : i32
        %parallel_loop3A_179 = vector.broadcast %parallel_loop3A_178 : i32 to vector<16xi32>
        %parallel_loop3A_180 = arith.addi %parallel_loop3A_167, %parallel_loop3A_179 : vector<16xi32>
        %parallel_loop3A_181 = tpu.vector_load_idx %arg6[%parallel_loop3A_180] : memref<256xf32, #tpu.memory_space<vmem>>[vector<16xi32>], vector<16xf32>,
        %parallel_loop3A_182 = arith.constant 1 : i32
        %parallel_loop3A_183 = vector.broadcast %parallel_loop3A_182 : i32 to vector<16xi32>
        tpu.vector_store_idx %arg7[%parallel_loop3A_171, %parallel_loop3A_183], %parallel_loop3A_181 : memref<512x20xf32, #tpu.memory_space<vmem>>[vector<16xi32>, vector<16xi32>], vector<16xf32>,
        %parallel_loop3A_184 = arith.constant 2 : i32
        %parallel_loop3A_185 = vector.broadcast %parallel_loop3A_184 : i32 to vector<16xi32>
        %parallel_loop3A_186 = arith.addi %parallel_loop3A_167, %parallel_loop3A_185 : vector<16xi32>
        %parallel_loop3A_187 = tpu.vector_load_idx %arg6[%parallel_loop3A_186] : memref<256xf32, #tpu.memory_space<vmem>>[vector<16xi32>], vector<16xf32>,
        %parallel_loop3A_188 = arith.constant 2 : i32
        %parallel_loop3A_189 = vector.broadcast %parallel_loop3A_188 : i32 to vector<16xi32>
        tpu.vector_store_idx %arg7[%parallel_loop3A_171, %parallel_loop3A_189], %parallel_loop3A_187 : memref<512x20xf32, #tpu.memory_space<vmem>>[vector<16xi32>, vector<16xi32>], vector<16xf32>,
        %parallel_loop3A_190 = arith.constant 3 : i32
        %parallel_loop3A_191 = vector.broadcast %parallel_loop3A_190 : i32 to vector<16xi32>
        %parallel_loop3A_192 = arith.addi %parallel_loop3A_167, %parallel_loop3A_191 : vector<16xi32>
        %parallel_loop3A_193 = tpu.vector_load_idx %arg6[%parallel_loop3A_192] : memref<256xf32, #tpu.memory_space<vmem>>[vector<16xi32>], vector<16xf32>,
        %parallel_loop3A_194 = arith.constant 3 : i32
        %parallel_loop3A_195 = vector.broadcast %parallel_loop3A_194 : i32 to vector<16xi32>
        tpu.vector_store_idx %arg7[%parallel_loop3A_171, %parallel_loop3A_195], %parallel_loop3A_193 : memref<512x20xf32, #tpu.memory_space<vmem>>[vector<16xi32>, vector<16xi32>], vector<16xf32>,
        %parallel_loop3A_196 = arith.constant 4 : i32
        %parallel_loop3A_197 = vector.broadcast %parallel_loop3A_196 : i32 to vector<16xi32>
        %parallel_loop3A_198 = arith.addi %parallel_loop3A_167, %parallel_loop3A_197 : vector<16xi32>
        %parallel_loop3A_199 = tpu.vector_load_idx %arg6[%parallel_loop3A_198] : memref<256xf32, #tpu.memory_space<vmem>>[vector<16xi32>], vector<16xf32>,
        %parallel_loop3A_200 = arith.constant 4 : i32
        %parallel_loop3A_201 = vector.broadcast %parallel_loop3A_200 : i32 to vector<16xi32>
        tpu.vector_store_idx %arg7[%parallel_loop3A_171, %parallel_loop3A_201], %parallel_loop3A_199 : memref<512x20xf32, #tpu.memory_space<vmem>>[vector<16xi32>, vector<16xi32>], vector<16xf32>,
        %parallel_loop3A_202 = arith.constant 5 : i32
        %parallel_loop3A_203 = vector.broadcast %parallel_loop3A_202 : i32 to vector<16xi32>
        %parallel_loop3A_204 = arith.addi %parallel_loop3A_167, %parallel_loop3A_203 : vector<16xi32>
        %parallel_loop3A_205 = tpu.vector_load_idx %arg6[%parallel_loop3A_204] : memref<256xf32, #tpu.memory_space<vmem>>[vector<16xi32>], vector<16xf32>,
        %parallel_loop3A_206 = arith.constant 5 : i32
        %parallel_loop3A_207 = vector.broadcast %parallel_loop3A_206 : i32 to vector<16xi32>
        tpu.vector_store_idx %arg7[%parallel_loop3A_171, %parallel_loop3A_207], %parallel_loop3A_205 : memref<512x20xf32, #tpu.memory_space<vmem>>[vector<16xi32>, vector<16xi32>], vector<16xf32>,
        %parallel_loop3A_208 = arith.constant 6 : i32
        %parallel_loop3A_209 = vector.broadcast %parallel_loop3A_208 : i32 to vector<16xi32>
        %parallel_loop3A_210 = arith.addi %parallel_loop3A_167, %parallel_loop3A_209 : vector<16xi32>
        %parallel_loop3A_211 = tpu.vector_load_idx %arg6[%parallel_loop3A_210] : memref<256xf32, #tpu.memory_space<vmem>>[vector<16xi32>], vector<16xf32>,
        %parallel_loop3A_212 = arith.constant 6 : i32
        %parallel_loop3A_213 = vector.broadcast %parallel_loop3A_212 : i32 to vector<16xi32>
        tpu.vector_store_idx %arg7[%parallel_loop3A_171, %parallel_loop3A_213], %parallel_loop3A_211 : memref<512x20xf32, #tpu.memory_space<vmem>>[vector<16xi32>, vector<16xi32>], vector<16xf32>,
        %parallel_loop3A_214 = arith.constant 7 : i32
        %parallel_loop3A_215 = vector.broadcast %parallel_loop3A_214 : i32 to vector<16xi32>
        %parallel_loop3A_216 = arith.addi %parallel_loop3A_167, %parallel_loop3A_215 : vector<16xi32>
        %parallel_loop3A_217 = tpu.vector_load_idx %arg6[%parallel_loop3A_216] : memref<256xf32, #tpu.memory_space<vmem>>[vector<16xi32>], vector<16xf32>,
        %parallel_loop3A_218 = arith.constant 7 : i32
        %parallel_loop3A_219 = vector.broadcast %parallel_loop3A_218 : i32 to vector<16xi32>
        tpu.vector_store_idx %arg7[%parallel_loop3A_171, %parallel_loop3A_219], %parallel_loop3A_217 : memref<512x20xf32, #tpu.memory_space<vmem>>[vector<16xi32>, vector<16xi32>], vector<16xf32>,
        %parallel_loop3A_220 = arith.constant 8 : i32
        %parallel_loop3A_221 = vector.broadcast %parallel_loop3A_220 : i32 to vector<16xi32>
        %parallel_loop3A_222 = arith.addi %parallel_loop3A_167, %parallel_loop3A_221 : vector<16xi32>
        %parallel_loop3A_223 = tpu.vector_load_idx %arg6[%parallel_loop3A_222] : memref<256xf32, #tpu.memory_space<vmem>>[vector<16xi32>], vector<16xf32>,
        %parallel_loop3A_224 = arith.constant 8 : i32
        %parallel_loop3A_225 = vector.broadcast %parallel_loop3A_224 : i32 to vector<16xi32>
        tpu.vector_store_idx %arg7[%parallel_loop3A_171, %parallel_loop3A_225], %parallel_loop3A_223 : memref<512x20xf32, #tpu.memory_space<vmem>>[vector<16xi32>, vector<16xi32>], vector<16xf32>,
        %parallel_loop3A_226 = arith.constant 9 : i32
        %parallel_loop3A_227 = vector.broadcast %parallel_loop3A_226 : i32 to vector<16xi32>
        %parallel_loop3A_228 = arith.addi %parallel_loop3A_167, %parallel_loop3A_227 : vector<16xi32>
        %parallel_loop3A_229 = tpu.vector_load_idx %arg6[%parallel_loop3A_228] : memref<256xf32, #tpu.memory_space<vmem>>[vector<16xi32>], vector<16xf32>,
        %parallel_loop3A_230 = arith.constant 9 : i32
        %parallel_loop3A_231 = vector.broadcast %parallel_loop3A_230 : i32 to vector<16xi32>
        tpu.vector_store_idx %arg7[%parallel_loop3A_171, %parallel_loop3A_231], %parallel_loop3A_229 : memref<512x20xf32, #tpu.memory_space<vmem>>[vector<16xi32>, vector<16xi32>], vector<16xf32>,
        %parallel_loop3A_232 = arith.constant 10 : i32
        %parallel_loop3A_233 = vector.broadcast %parallel_loop3A_232 : i32 to vector<16xi32>
        %parallel_loop3A_234 = arith.addi %parallel_loop3A_167, %parallel_loop3A_233 : vector<16xi32>
        %parallel_loop3A_235 = tpu.vector_load_idx %arg6[%parallel_loop3A_234] : memref<256xf32, #tpu.memory_space<vmem>>[vector<16xi32>], vector<16xf32>,
        %parallel_loop3A_236 = arith.constant 10 : i32
        %parallel_loop3A_237 = vector.broadcast %parallel_loop3A_236 : i32 to vector<16xi32>
        tpu.vector_store_idx %arg7[%parallel_loop3A_171, %parallel_loop3A_237], %parallel_loop3A_235 : memref<512x20xf32, #tpu.memory_space<vmem>>[vector<16xi32>, vector<16xi32>], vector<16xf32>,
        %parallel_loop3A_238 = arith.constant 11 : i32
        %parallel_loop3A_239 = vector.broadcast %parallel_loop3A_238 : i32 to vector<16xi32>
        %parallel_loop3A_240 = arith.addi %parallel_loop3A_167, %parallel_loop3A_239 : vector<16xi32>
        %parallel_loop3A_241 = tpu.vector_load_idx %arg6[%parallel_loop3A_240] : memref<256xf32, #tpu.memory_space<vmem>>[vector<16xi32>], vector<16xf32>,
        %parallel_loop3A_242 = arith.constant 11 : i32
        %parallel_loop3A_243 = vector.broadcast %parallel_loop3A_242 : i32 to vector<16xi32>
        tpu.vector_store_idx %arg7[%parallel_loop3A_171, %parallel_loop3A_243], %parallel_loop3A_241 : memref<512x20xf32, #tpu.memory_space<vmem>>[vector<16xi32>, vector<16xi32>], vector<16xf32>,
        %parallel_loop3A_244 = arith.constant 12 : i32
        %parallel_loop3A_245 = vector.broadcast %parallel_loop3A_244 : i32 to vector<16xi32>
        %parallel_loop3A_246 = arith.addi %parallel_loop3A_167, %parallel_loop3A_245 : vector<16xi32>
        %parallel_loop3A_247 = tpu.vector_load_idx %arg6[%parallel_loop3A_246] : memref<256xf32, #tpu.memory_space<vmem>>[vector<16xi32>], vector<16xf32>,
        %parallel_loop3A_248 = arith.constant 12 : i32
        %parallel_loop3A_249 = vector.broadcast %parallel_loop3A_248 : i32 to vector<16xi32>
        tpu.vector_store_idx %arg7[%parallel_loop3A_171, %parallel_loop3A_249], %parallel_loop3A_247 : memref<512x20xf32, #tpu.memory_space<vmem>>[vector<16xi32>, vector<16xi32>], vector<16xf32>,
        %parallel_loop3A_250 = arith.constant 13 : i32
        %parallel_loop3A_251 = vector.broadcast %parallel_loop3A_250 : i32 to vector<16xi32>
        %parallel_loop3A_252 = arith.addi %parallel_loop3A_167, %parallel_loop3A_251 : vector<16xi32>
        %parallel_loop3A_253 = tpu.vector_load_idx %arg6[%parallel_loop3A_252] : memref<256xf32, #tpu.memory_space<vmem>>[vector<16xi32>], vector<16xf32>,
        %parallel_loop3A_254 = arith.constant 13 : i32
        %parallel_loop3A_255 = vector.broadcast %parallel_loop3A_254 : i32 to vector<16xi32>
        tpu.vector_store_idx %arg7[%parallel_loop3A_171, %parallel_loop3A_255], %parallel_loop3A_253 : memref<512x20xf32, #tpu.memory_space<vmem>>[vector<16xi32>, vector<16xi32>], vector<16xf32>,
        %parallel_loop3A_256 = arith.constant 14 : i32
        %parallel_loop3A_257 = vector.broadcast %parallel_loop3A_256 : i32 to vector<16xi32>
        %parallel_loop3A_258 = arith.addi %parallel_loop3A_167, %parallel_loop3A_257 : vector<16xi32>
        %parallel_loop3A_259 = tpu.vector_load_idx %arg6[%parallel_loop3A_258] : memref<256xf32, #tpu.memory_space<vmem>>[vector<16xi32>], vector<16xf32>,
        %parallel_loop3A_260 = arith.constant 14 : i32
        %parallel_loop3A_261 = vector.broadcast %parallel_loop3A_260 : i32 to vector<16xi32>
        tpu.vector_store_idx %arg7[%parallel_loop3A_171, %parallel_loop3A_261], %parallel_loop3A_259 : memref<512x20xf32, #tpu.memory_space<vmem>>[vector<16xi32>, vector<16xi32>], vector<16xf32>,
        %parallel_loop3A_262 = arith.constant 15 : i32
        %parallel_loop3A_263 = vector.broadcast %parallel_loop3A_262 : i32 to vector<16xi32>
        %parallel_loop3A_264 = arith.addi %parallel_loop3A_167, %parallel_loop3A_263 : vector<16xi32>
        %parallel_loop3A_265 = tpu.vector_load_idx %arg6[%parallel_loop3A_264] : memref<256xf32, #tpu.memory_space<vmem>>[vector<16xi32>], vector<16xf32>,
        %parallel_loop3A_266 = arith.constant 15 : i32
        %parallel_loop3A_267 = vector.broadcast %parallel_loop3A_266 : i32 to vector<16xi32>
        tpu.vector_store_idx %arg7[%parallel_loop3A_171, %parallel_loop3A_267], %parallel_loop3A_265 : memref<512x20xf32, #tpu.memory_space<vmem>>[vector<16xi32>, vector<16xi32>], vector<16xf32>,
        %parallel_loop3A_268 = arith.constant 16 : i32
        %parallel_loop3A_269 = vector.broadcast %parallel_loop3A_268 : i32 to vector<16xi32>
        %parallel_loop3A_270 = arith.addi %parallel_loop3A_167, %parallel_loop3A_269 : vector<16xi32>
        %parallel_loop3A_271 = tpu.vector_load_idx %arg6[%parallel_loop3A_270] : memref<256xf32, #tpu.memory_space<vmem>>[vector<16xi32>], vector<16xf32>,
        %parallel_loop3A_272 = arith.constant 16 : i32
        %parallel_loop3A_273 = vector.broadcast %parallel_loop3A_272 : i32 to vector<16xi32>
        tpu.vector_store_idx %arg7[%parallel_loop3A_171, %parallel_loop3A_273], %parallel_loop3A_271 : memref<512x20xf32, #tpu.memory_space<vmem>>[vector<16xi32>, vector<16xi32>], vector<16xf32>,
        %parallel_loop3A_274 = arith.constant 17 : i32
        %parallel_loop3A_275 = vector.broadcast %parallel_loop3A_274 : i32 to vector<16xi32>
        %parallel_loop3A_276 = arith.addi %parallel_loop3A_167, %parallel_loop3A_275 : vector<16xi32>
        %parallel_loop3A_277 = tpu.vector_load_idx %arg6[%parallel_loop3A_276] : memref<256xf32, #tpu.memory_space<vmem>>[vector<16xi32>], vector<16xf32>,
        %parallel_loop3A_278 = arith.constant 17 : i32
        %parallel_loop3A_279 = vector.broadcast %parallel_loop3A_278 : i32 to vector<16xi32>
        tpu.vector_store_idx %arg7[%parallel_loop3A_171, %parallel_loop3A_279], %parallel_loop3A_277 : memref<512x20xf32, #tpu.memory_space<vmem>>[vector<16xi32>, vector<16xi32>], vector<16xf32>,
        %parallel_loop3A_280 = arith.constant 18 : i32
        %parallel_loop3A_281 = vector.broadcast %parallel_loop3A_280 : i32 to vector<16xi32>
        %parallel_loop3A_282 = arith.addi %parallel_loop3A_167, %parallel_loop3A_281 : vector<16xi32>
        %parallel_loop3A_283 = tpu.vector_load_idx %arg6[%parallel_loop3A_282] : memref<256xf32, #tpu.memory_space<vmem>>[vector<16xi32>], vector<16xf32>,
        %parallel_loop3A_284 = arith.constant 18 : i32
        %parallel_loop3A_285 = vector.broadcast %parallel_loop3A_284 : i32 to vector<16xi32>
        tpu.vector_store_idx %arg7[%parallel_loop3A_171, %parallel_loop3A_285], %parallel_loop3A_283 : memref<512x20xf32, #tpu.memory_space<vmem>>[vector<16xi32>, vector<16xi32>], vector<16xf32>,
        %parallel_loop3A_286 = arith.constant 19 : i32
        %parallel_loop3A_287 = vector.broadcast %parallel_loop3A_286 : i32 to vector<16xi32>
        %parallel_loop3A_288 = arith.addi %parallel_loop3A_167, %parallel_loop3A_287 : vector<16xi32>
        %parallel_loop3A_289 = tpu.vector_load_idx %arg6[%parallel_loop3A_288] : memref<256xf32, #tpu.memory_space<vmem>>[vector<16xi32>], vector<16xf32>,
        %parallel_loop3A_290 = arith.constant 19 : i32
        %parallel_loop3A_291 = vector.broadcast %parallel_loop3A_290 : i32 to vector<16xi32>
        tpu.vector_store_idx %arg7[%parallel_loop3A_171, %parallel_loop3A_291], %parallel_loop3A_289 : memref<512x20xf32, #tpu.memory_space<vmem>>[vector<16xi32>, vector<16xi32>], vector<16xf32>,
      } {sc.loop_unroll_factor = 2 : i64, sc.parallel_access}
      %mul3A_73 = arith.constant 128 : i32
      %mul3A_74 = arith.muli %scan3A_66, %mul3A_73 : i32
      %mul3A_75 = arith.constant 128 : i32
      %mul3A_76 = arith.muli %scan3A_66, %mul3A_75 : i32
      %add3A_77 = arith.addi %mul3A_2, %mul3A_76 : i32
      %dma_start3A_78 = arith.constant 0 : i32
      %dma_start3A_79 = tpu.memref_slice %arg7[%mul3A_74, %dma_start3A_78] : memref<512x20xf32, #tpu.memory_space<vmem>> -> memref<128x20xf32, #tpu.memory_space<vmem>>
      %dma_start3A_80 = arith.constant 0 : i32
      %dma_start3A_81 = tpu.memref_slice %arg4[%add3A_77, %dma_start3A_80] : memref<16384x20xf32, #tpu.memory_space<hbm>> -> memref<128x20xf32, #tpu.memory_space<hbm>>
      %dma_start3A_82 = arith.constant 0 : i32
      %dma_start3A_83 = tpu.memref_slice %arg4[%add3A_77, %dma_start3A_82] : memref<16384x20xf32, #tpu.memory_space<hbm>> -> memref<128x20xf32, #tpu.memory_space<hbm>>
      %dma_start3A_84 = arith.constant 0 : i32
      %dma_start3A_85 = tpu.memref_slice %arg7[%mul3A_74, %dma_start3A_84] : memref<512x20xf32, #tpu.memory_space<vmem>> -> memref<128x20xf32, #tpu.memory_space<vmem>>
      tpu.enqueue_dma source(%dma_start3A_85 : memref<128x20xf32, #tpu.memory_space<vmem>>) target(%dma_start3A_83 : memref<128x20xf32, #tpu.memory_space<hbm>>) target_semaphore(%arg8 : memref<!tpu.dma_semaphore, #tpu.memory_space<semaphore_mem>>)
    }
    %scan3A_17 = arith.constant 4 : i32
    %add3A_18 = arith.constant 0 : i32
    %add3A_19 = arith.addi %mul3A_2, %add3A_18 : i32
    %dma_wait3A_20 = arith.constant 0 : i32
    %dma_wait3A_21 = arith.constant 0 : i32
    %dma_wait3A_22 = tpu.memref_slice %arg7[%dma_wait3A_20, %dma_wait3A_21] : memref<512x20xf32, #tpu.memory_space<vmem>> -> memref<128x20xf32, #tpu.memory_space<vmem>>
    %dma_wait3A_23 = arith.constant 0 : i32
    %dma_wait3A_24 = tpu.memref_slice %arg4[%add3A_19, %dma_wait3A_23] : memref<16384x20xf32, #tpu.memory_space<hbm>> -> memref<128x20xf32, #tpu.memory_space<hbm>>
    %dma_wait3A_25 = arith.constant 0 : i32
    %dma_wait3A_26 = tpu.memref_slice %arg4[%add3A_19, %dma_wait3A_25] : memref<16384x20xf32, #tpu.memory_space<hbm>> -> memref<128x20xf32, #tpu.memory_space<hbm>>
    %dma_wait3A_27 = arith.constant 0 : i32
    %dma_wait3A_28 = arith.constant 0 : i32
    %dma_wait3A_29 = tpu.memref_slice %arg7[%dma_wait3A_27, %dma_wait3A_28] : memref<512x20xf32, #tpu.memory_space<vmem>> -> memref<128x20xf32, #tpu.memory_space<vmem>>
    tpu.wait_dma2 semaphore(%arg8 : memref<!tpu.dma_semaphore, #tpu.memory_space<semaphore_mem>>) src(%dma_wait3A_29 : memref<128x20xf32, #tpu.memory_space<vmem>>) dst(%dma_wait3A_26 : memref<128x20xf32, #tpu.memory_space<hbm>>)
    %add3A_30 = arith.constant 128 : i32
    %add3A_31 = arith.addi %mul3A_2, %add3A_30 : i32
    %dma_wait3A_32 = arith.constant 128 : i32
    %dma_wait3A_33 = arith.constant 0 : i32
    %dma_wait3A_34 = tpu.memref_slice %arg7[%dma_wait3A_32, %dma_wait3A_33] : memref<512x20xf32, #tpu.memory_space<vmem>> -> memref<128x20xf32, #tpu.memory_space<vmem>>
    %dma_wait3A_35 = arith.constant 0 : i32
    %dma_wait3A_36 = tpu.memref_slice %arg4[%add3A_31, %dma_wait3A_35] : memref<16384x20xf32, #tpu.memory_space<hbm>> -> memref<128x20xf32, #tpu.memory_space<hbm>>
    %dma_wait3A_37 = arith.constant 0 : i32
    %dma_wait3A_38 = tpu.memref_slice %arg4[%add3A_31, %dma_wait3A_37] : memref<16384x20xf32, #tpu.memory_space<hbm>> -> memref<128x20xf32, #tpu.memory_space<hbm>>
    %dma_wait3A_39 = arith.constant 128 : i32
    %dma_wait3A_40 = arith.constant 0 : i32
    %dma_wait3A_41 = tpu.memref_slice %arg7[%dma_wait3A_39, %dma_wait3A_40] : memref<512x20xf32, #tpu.memory_space<vmem>> -> memref<128x20xf32, #tpu.memory_space<vmem>>
    tpu.wait_dma2 semaphore(%arg8 : memref<!tpu.dma_semaphore, #tpu.memory_space<semaphore_mem>>) src(%dma_wait3A_41 : memref<128x20xf32, #tpu.memory_space<vmem>>) dst(%dma_wait3A_38 : memref<128x20xf32, #tpu.memory_space<hbm>>)
    %add3A_42 = arith.constant 256 : i32
    %add3A_43 = arith.addi %mul3A_2, %add3A_42 : i32
    %dma_wait3A_44 = arith.constant 256 : i32
    %dma_wait3A_45 = arith.constant 0 : i32
    %dma_wait3A_46 = tpu.memref_slice %arg7[%dma_wait3A_44, %dma_wait3A_45] : memref<512x20xf32, #tpu.memory_space<vmem>> -> memref<128x20xf32, #tpu.memory_space<vmem>>
    %dma_wait3A_47 = arith.constant 0 : i32
    %dma_wait3A_48 = tpu.memref_slice %arg4[%add3A_43, %dma_wait3A_47] : memref<16384x20xf32, #tpu.memory_space<hbm>> -> memref<128x20xf32, #tpu.memory_space<hbm>>
    %dma_wait3A_49 = arith.constant 0 : i32
    %dma_wait3A_50 = tpu.memref_slice %arg4[%add3A_43, %dma_wait3A_49] : memref<16384x20xf32, #tpu.memory_space<hbm>> -> memref<128x20xf32, #tpu.memory_space<hbm>>
    %dma_wait3A_51 = arith.constant 256 : i32
    %dma_wait3A_52 = arith.constant 0 : i32
    %dma_wait3A_53 = tpu.memref_slice %arg7[%dma_wait3A_51, %dma_wait3A_52] : memref<512x20xf32, #tpu.memory_space<vmem>> -> memref<128x20xf32, #tpu.memory_space<vmem>>
    tpu.wait_dma2 semaphore(%arg8 : memref<!tpu.dma_semaphore, #tpu.memory_space<semaphore_mem>>) src(%dma_wait3A_53 : memref<128x20xf32, #tpu.memory_space<vmem>>) dst(%dma_wait3A_50 : memref<128x20xf32, #tpu.memory_space<hbm>>)
    %add3A_54 = arith.constant 384 : i32
    %add3A_55 = arith.addi %mul3A_2, %add3A_54 : i32
    %dma_wait3A_56 = arith.constant 384 : i32
    %dma_wait3A_57 = arith.constant 0 : i32
    %dma_wait3A_58 = tpu.memref_slice %arg7[%dma_wait3A_56, %dma_wait3A_57] : memref<512x20xf32, #tpu.memory_space<vmem>> -> memref<128x20xf32, #tpu.memory_space<vmem>>
    %dma_wait3A_59 = arith.constant 0 : i32
    %dma_wait3A_60 = tpu.memref_slice %arg4[%add3A_55, %dma_wait3A_59] : memref<16384x20xf32, #tpu.memory_space<hbm>> -> memref<128x20xf32, #tpu.memory_space<hbm>>
    %dma_wait3A_61 = arith.constant 0 : i32
    %dma_wait3A_62 = tpu.memref_slice %arg4[%add3A_55, %dma_wait3A_61] : memref<16384x20xf32, #tpu.memory_space<hbm>> -> memref<128x20xf32, #tpu.memory_space<hbm>>
    %dma_wait3A_63 = arith.constant 384 : i32
    %dma_wait3A_64 = arith.constant 0 : i32
    %dma_wait3A_65 = tpu.memref_slice %arg7[%dma_wait3A_63, %dma_wait3A_64] : memref<512x20xf32, #tpu.memory_space<vmem>> -> memref<128x20xf32, #tpu.memory_space<vmem>>
    tpu.wait_dma2 semaphore(%arg8 : memref<!tpu.dma_semaphore, #tpu.memory_space<semaphore_mem>>) src(%dma_wait3A_65 : memref<128x20xf32, #tpu.memory_space<vmem>>) dst(%dma_wait3A_62 : memref<128x20xf32, #tpu.memory_space<hbm>>)
    return
  }
}

</mosaic_0001>

<sc_bundles>
// kernel: kernel.3.cloned.1.call-start
scs
__scs_entry_jumppad:
0x0: {  	(pc) =	sbr.rel $0x88, $3  }
0x1: {  	(tag) =	ssettag $0x0;
	lr =	simm.s32 $0x1  }
0x2: {  	[smem:$0x3F9F] =	sst lr;
	_ =	strace $0xD0000000  }
0x3: {  	_ = 	snop  }
0x4: {  	_ = 	snop  }
0x5: {  	_ = 	snop  }
0x6: {  	_ = 	snop  }
0x7: {  	_ = 	snop  }
__scs_overlays_trampoline_lowered:
0x8: {  	[smem:$0x3FAE] =	sst s0  }
0x9: {  	[smem:$0x3FAF] =	sst s1  }
0xa: {  	[smem:$0x3FB0] =	sst s2  }
0xb: {  	[smem:$0x3FB1] =	sst s3  }
0xc: {  	[smem:$0x3FB2] =	sst s4  }
0xd: {  	[smem:$0x3FB3] =	sst s5  }
0xe: {  	[smem:$0x3FB4] =	sst s6  }
0xf: {  	[smem:$0x3FB5] =	sst s7  }
0x10: {  	[smem:$0x3FB6] =	sst s8  }
0x11: {  	[smem:$0x3FB7] =	sst s9;
	s0 =	simm.s32 @!p0 $0x0  }
0x12: {  	s1 =	sld [smem:$0x3F9D];
	s0 =	simm.s32 @p0 $0x1  }
0x13: {  	[smem:$0x3FB8] =	sst s0;
	s0 =	simm.s32 @!p1 $0x0  }
0x14: {  	s2 =	sld [smem:$0x3F9C];
	s0 =	simm.s32 @p1 $0x1  }
0x15: {  	[smem:$0x3FB9] =	sst s0;
	s0 =	simm.s32 @!p2 $0x0  }
0x16: {  	s3 =	sld [smem:$0x3FDB];
	s0 =	simm.s32 @p2 $0x1  }
0x17: {  	s4 =	simm.s32 $0x1BF5;
	[smem:$0x3FBB] =	sst s0  }
0x18: {  	s0 =	sld [smem:$0x3F9E];
	_ =	swait.ge [sflag:s4], $0x0  }
0x19: {  	s7 =	sld [smem:$0x3F9F]  }
0x1a: {  	s8 =	sadd.s32 $0xFFFFE003, lr  }
0x1b: {  	s9 =	sadd.s32 $0xFFFFFEF7, lr;
	s5 =	simm.s32 $0xFFFFFFFF;
	p2 =	slt.u32 s8, $0xFFFFF086  }
0x1c: {  	p1 =	slt.u32 s9, $0xF7A;
	s5 =	simm.s32 @!p2 $0x0  }
0x1d: {  	s5 =	simm.s32 @p1 $0x1;
	p0 =	seq.s32 s7, s2  }
0x1e: {  	s7 =	smul.u32 @!p0 $0xF7A, s2;
	p2 =	seq.s32 @!p0 s5, $0x0  }
0x1f: {  	s9 =	smul.u32 $0xF7A, s1;
	s8 =	simm.s32 @!p0 $0x1BF5;
	p2 =	por !p2, p0  }
0x20: {  	[sflag:s8] =	ssyncset.s32 @!p0 $0xFFFFF086;
	s6 =	sadd.s32 @!p0 s3, s7;
	s7 =	simm.s32 @!p0 $0x108  }
0x21: {  	s3 =	sadd.s32 s3, s9;
	s6 =	sadd.s32 @!p0 $0x88, s6;
	s7 =	simm.s32 @p2 $0x1082  }
0x22: {  	[simem:s7], [sflag:s8] =	dma.local @!p0 [hbm:s6], $0xF7A  }
0x23: {  	s9 =	sor.u32 $0xD0000000, s2;
	s6 =	simm.s32 $0x108;
	_ =	swait.ge @!p0 [sflag:s8], $0x0  }
0x24: {  	s3 =	sadd.s32 $0x88, s3;
	s6 =	simm.s32 @!p1 $0x1082;
	[sflag:s4] =	ssyncset.s32 $0xFFFFF086  }
0x25: {  	[simem:s6], [sflag:s4] =	dma.local [hbm:s3], $0xF7A  }
0x26: {  	[smem:$0x3F9F] =	sst s1;
	(tag) =	ssettag s2;
	_ =	strace s9  }
0x27: {  	s1 =	sld [smem:$0x3FAF]  }
0x28: {  	s2 =	sld [smem:$0x3FB0]  }
0x29: {  	s4 =	sld [smem:$0x3FB2]  }
0x2a: {  	p0 =	seq.s32 s5, $0x0;
	s5 =	sld [smem:$0x3FB3]  }
0x2b: {  	s6 =	sld [smem:$0x3FB4]  }
0x2c: {  	s7 =	sld [smem:$0x3FB5]  }
0x2d: {  	s3 =	simm.s32 $0x108;
	s8 =	sld [smem:$0x3FB6]  }
0x2e: {  	s3 =	simm.s32 @!p0 $0x1082;
	s9 =	sld [smem:$0x3FB7]  }
0x2f: {  	lr =	sadd.s32 s0, s3;
	s0 =	sld [smem:$0x3FAE]  }
0x30: {  	s3 =	sld [smem:$0x3FB1]  }
0x31: {  	[smem:$0x3FBA] =	sst s10  }
0x32: {  	s10 =	sld [smem:$0x3FB8];
	_ =	sdelay $0x3  }
0x33: {  	p0 =	seq.s32 s10, $0x1;
	s10 =	sld [smem:$0x3FBA];
	_ =	sdelay $0x3  }
0x34: {  	[smem:$0x3FBA] =	sst s10  }
0x35: {  	s10 =	sld [smem:$0x3FB9];
	_ =	sdelay $0x3  }
0x36: {  	p1 =	seq.s32 s10, $0x1;
	s10 =	sld [smem:$0x3FBA];
	_ =	sdelay $0x3  }
0x37: {  	[smem:$0x3FBA] =	sst s10  }
0x38: {  	s10 =	sld [smem:$0x3FBB]  }
0x39: {  	_ = 	snop;
	(pc) =	sbr.ind lr, $3  }
0x3a: {  	_ = 	snop  }
0x3b: {  	_ = 	snop  }
0x3c: {  	p2 =	seq.s32 s10, $0x1;
	s10 =	sld [smem:$0x3FBA]  }
0x3d: {  	_ =	shalt  }
0x3e: {  	_ =	shalt  }
0x3f: {  	_ =	shalt  }
0x40: {  	_ =	shalt  }
0x41: {  	_ =	shalt  }
0x42: {  	_ =	shalt  }
0x43: {  	_ =	shalt  }
0x44: {  	_ =	shalt  }
0x45: {  	_ =	shalt  }
0x46: {  	_ =	shalt  }
0x47: {  	_ =	shalt  }
0x48: {  	_ =	shalt  }
0x49: {  	_ =	shalt  }
0x4a: {  	_ =	shalt  }
0x4b: {  	_ =	shalt  }
0x4c: {  	_ =	shalt  }
0x4d: {  	_ =	shalt  }
0x4e: {  	_ =	shalt  }
0x4f: {  	_ =	shalt  }
0x50: {  	_ =	shalt  }
0x51: {  	_ =	shalt  }
0x52: {  	_ =	shalt  }
0x53: {  	_ =	shalt  }
0x54: {  	_ =	shalt  }
0x55: {  	_ =	shalt  }
0x56: {  	_ =	shalt  }
0x57: {  	_ =	shalt  }
0x58: {  	_ =	shalt  }
0x59: {  	_ =	shalt  }
0x5a: {  	_ =	shalt  }
0x5b: {  	_ =	shalt  }
0x5c: {  	_ =	shalt  }
0x5d: {  	_ =	shalt  }
0x5e: {  	_ =	shalt  }
0x5f: {  	_ =	shalt  }
0x60: {  	_ =	shalt  }
0x61: {  	_ =	shalt  }
0x62: {  	_ =	shalt  }
0x63: {  	_ =	shalt  }
0x64: {  	_ =	shalt  }
0x65: {  	_ =	shalt  }
0x66: {  	_ =	shalt  }
0x67: {  	_ =	shalt  }
0x68: {  	_ =	shalt  }
0x69: {  	_ =	shalt  }
0x6a: {  	_ =	shalt  }
0x6b: {  	_ =	shalt  }
0x6c: {  	_ =	shalt  }
0x6d: {  	_ =	shalt  }
0x6e: {  	_ =	shalt  }
0x6f: {  	_ =	shalt  }
0x70: {  	_ =	shalt  }
0x71: {  	_ =	shalt  }
0x72: {  	_ =	shalt  }
0x73: {  	_ =	shalt  }
0x74: {  	_ =	shalt  }
0x75: {  	_ =	shalt  }
0x76: {  	_ =	shalt  }
0x77: {  	_ =	shalt  }
0x78: {  	_ =	shalt  }
0x79: {  	_ =	shalt  }
0x7a: {  	_ =	shalt  }
0x7b: {  	_ =	shalt  }
0x7c: {  	_ =	shalt  }
0x7d: {  	_ =	shalt  }
0x7e: {  	_ =	shalt  }
0x7f: {  	_ =	shalt  }
0x80: {  	_ =	shalt  }
0x81: {  	_ =	shalt  }
0x82: {  	_ =	shalt  }
0x83: {  	_ =	shalt  }
0x84: {  	_ =	shalt  }
0x85: {  	_ =	shalt  }
0x86: {  	_ =	shalt  }
0x87: {  	_ =	shalt  }
.Lfunc_end0:
.L_simem_size_0:
called_computation_lowered:
.L_overlay_start_0:
0x88: {  	s2 =	sld [smem:$0x3FD9]  }
0x89: {  	s3 =	sld [smem:$0x3FFE];
	_ =	sdelay $0x1  }
0x8a: {  	s1 =	srdreg.scid  }
0x8b: {  	s0 =	sand.u32 $0x1, s1  }
0x8c: {  	s17 =	sshll.u32 s0, $0xA;
	s2 =	sadd.s32 s3, s2  }
0x8d: {  	s2 =	sadd.s32 s2, s17  }
0x8e: {  	[smem:$0x3FC6] =	sst s2  }
0x8f: {  	_ = 	snop  }
0x90: {  	s2 =	sld [smem:$0x3FC9]  }
0x91: {  	s18 =	sld [smem:$0x3FD0];
	(tm) =	ssettm $0x1  }
0x92: {  	s4 =	sld [smem:$0x3FFB];
	_ =	sdelay $0x3  }
0x93: {  	_ =	strace s4  }
0x94: {  	s4 =	sld [smem:$0x3FFC];
	_ =	sdelay $0x3  }
0x95: {  	_ =	strace s4  }
0x96: {  	s4 =	sld [smem:$0x3FFD];
	_ =	sdelay $0x3  }
0x97: {  	_ =	strace s4  }
0x98: {  	_ =	strace $0x8FFFFFFF  }
0x99: {  	s19 =	sld [smem:$0x3FDB];
	_ =	sdelay $0x1  }
0x9a: {  	s5 =	simm.s32 $_scs_section_size  }
0x9b: {  	s6 =	simm.s32 $_size__tile_overlayer_lowered;
	s7 =	simm.s32 $_tile_overlayer_lowered  }
0x9c: {  	s22 =	simm.s32 $0x1BFF;
	s21 =	sshll.u32 s7, $0x1;
	s4 =	sadd.s32 s5, s19  }
0x9d: {  	s8 =	simm.s32 $0x0;
	s20 =	sshll.u32 s6, $0x1;
	s6 =	sadd.s32 s21, s4  }
0x9e: {  	[timem:s8], [sflag:s22] =	dma.local [hbm:s6], s20  }
0x9f: {  	_ =	swait.ge [sflag:s22], s20  }
0xa0: {  	s5 =	ssub.s32 $0x0, s20;
	[sflag:s22] =	ssyncset.done $0x0  }
0xa1: {  	[sflag:s22] =	ssyncadd.s32 s5;
	_ =	sdelay $0x1  }
0xa2: {  	s23 =	simm.s32 $0x1B8B  }
0xa3: {  	_ =	swait.ge [sflag:s23], $0x1  }
0xa4: {  	[sflag:s23] =	ssyncset.done $0x0  }
0xa5: {  	s25 =	simm.s32 $0x1B8E;
	s24 =	sld [smem:$0x3FFE];
	[sflag:s23] =	ssyncadd.s32 $0xFFFFFFFF  }
0xa6: {  	s26 =	simm.s32 $execute0_lowered;
	[smem:$0x3FD2] =	sst s25  }
0xa7: {  	s6 =	sshll.u32 s26, $0x1;
	_ =	strace $0x80000046;
	[dreg:$0x1] =	wrdreg $0xFFFFFFFF  }
0xa8: {  	s28 =	simm.s32 $_size_execute0_lowered;
	s4 =	sadd.s32 s4, s6;
	[dreg:$0x0] =	wrdreg $0x0  }
0xa9: {  	s6 =	sshll.u32 s28, $0x1;
	[dreg:$0x2] =	wrdreg s4  }
0xaa: {  	[dreg:$0x3] =	wrdreg s6  }
0xab: {  	[dreg:$0x4] =	wrdreg $0xC0  }
0xac: {  	_ =	task [dreg:s8], $0x5FFFF  }
0xad: {  	[dreg:$0x1] =	wrdreg $0xFFFFFFFF  }
0xae: {  	[dreg:$0x0] =	wrdreg $0x60  }
0xaf: {  	[dreg:$0x2] =	wrdreg s2  }
0xb0: {  	[dreg:$0x3] =	wrdreg s18  }
0xb1: {  	[dreg:$0x4] =	wrdreg s24  }
0xb2: {  	[dreg:$0x5] =	wrdreg $0x9  }
0xb3: {  	_ =	task.clear_ibuf [dreg:s8], $0x6FFFF;
	_ =	strace $0x90000046  }
0xb4: {  	s29 =	simm.s32 $0x9;
	_ =	strace $0x80000048  }
0xb5: {  	_ =	swait.ge [sflag:s29], $0x1  }
0xb6: {  	[sflag:s29] =	ssyncadd.s32 $0xFFFFFFFF  }
0xb7: {  	_ =	strace $0x90000048  }
0xb8: {  	_ =	sfence  }
0xb9: {  	s30 =	sld [smem:$0x0];
	_ =	sdelay $0x2  }
0xba: {  	s31 =	sshll.u32 s1, $0xD;
	s1 =	sshrl.u32 s1, $0x2  }
0xbb: {  	s3 =	sand.u32 $0x4000, s31;
	s1 =	sadd.s32 s1, s30  }
0xbc: {  	s0 =	sor.u32 s3, s0;
	s1 =	sshll.u32 s1, $0x11  }
0xbd: {  	s0 =	sor.u32 s1, s0  }
0xbe: {  	s0 =	sadd.s32 $0x8F2B, s0  }
0xbf: {  	[sflag:s0] =	ssyncadd.remote.s32 $0x1  }
0xc0: {  	_ =	sfence.sel $0xFFFF  }
0xc1: {  	[dreg:$0x0] =	wrdreg $0xFFFFFFFF;
	(pc) =	sbr.abs _section_cstart, $3  }
0xc2: {  	[dreg:$0x1] =	wrdreg $0xFFFFFFFF  }
0xc3: {  	_ =	task.clear_ibuf [dreg:s8], $0x2FFFF;
	_ =	strace $0x9FFFFFFF  }
0xc4: {  	(tm) =	ssettm $0x7FFFFFFF  }
0xc5: {  	_ =	shalt  }
tec
execute0_lowered:
.L_overlay_start_1:
0x0: {  	(tag) =	ssettag $0x1  }
0x1: {  	s4 =	rddreg [dreg:$0x0]  }
0x2: {  	s2 =	rddreg [dreg:$0x1]  }
0x3: {  	s5 =	rddreg [dreg:$0x2];
	s3 =	srdreg.scid  }
0x4: {  	s0 =	rddreg [dreg:$0x3];
	s1 =	stileid.u32;
	s9 =	simm.s32 $0x1  }
0x5: {  	s10 =	simm.s32 $0x300;
	s11 =	simm.s32 $0x0;
	s6 =	sand.u32 $0x1, s3  }
0x6: {  	s3 =	simm.s32 $0x0;
	s7 =	sshll.u32 s1, $0xA;
	s8 =	sshll.u32 s6, $0x9  }
.Ltmp0:
0x7: {  	[smem:$0x7FF] =	sst s3;
	s6 =	ssub.s32 $0x2, s6;
	(pc) =	sbr.rel .LBB2_1-.Ltmp0, $4  }
0x8: {  	s7 =	sor.u32 s8, s7;
	_ =	strace $0x80000047;
	s31 =	sshrl.u32 s6, $0x1  }
0x9: {  	s8 =	sshll.u32 s7, $0x4;
	s7 =	sshrl.u32 s7, $0x3;
	s6 =	ssub.s32 s6, s31  }
0xa: {  	v1 =	vlaneseq.u32;
	s5 =	sadd.s32 s8, s5;
	s4 =	sadd.s32 s4, s7;
	s6 =	smax.u32 s6, $0x1  }
0xb: {  	v0 =	vimm.s32 $0x0;
	v1 =	vmul.u32 $0x80, v1;
	s7 =	simm.s32 $0x200;
	s8 =	simm.s32 $0x2;
	s5 =	sadd.s32 $0x400, s5  }
.LBB2_13:
0xc: {  	_ =	swait.ge [sflag:s9], $0x4000  }
0xd: {  	[sflag:s9] =	ssyncset.done $0x0  }
0xe: {  	[sflag:s9] =	ssyncadd.s32 $0xFFFFC000  }
0xf: {  	_ =	swait.ge [sflag:s9], $0x4000  }
0x10: {  	[sflag:s9] =	ssyncset.done $0x0  }
0x11: {  	s11 =	sadd.s32 $0x1, s11;
	[sflag:s9] =	ssyncadd.s32 $0xFFFFC000  }
0x12: {  	p0 =	sne.s32 s11, s6;
	_ =	swait.ge [sflag:s9], $0x4000  }
.Ltmp1:
0x13: {  	[sflag:s9] =	ssyncset.done $0x0;
	(pc) =	sbr.rel @!p0 .LBB2_14-.Ltmp1, $4  }
0x14: {  	[sflag:s9] =	ssyncadd.s32 $0xFFFFC000  }
0x15: {  	_ =	swait.ge [sflag:s9], $0x4000  }
0x16: {  	[sflag:s9] =	ssyncset.done $0x0  }
0x17: {  	[sflag:s9] =	ssyncadd.s32 $0xFFFFC000  }
.LBB2_1:
0x18: {  	[tilespmem:s3], [sflag:$0x2] =	stream.linear.gather [hbm4b:s4+s3], $0x200, $0x38;
	[tilespmem:$0x10300] =	vst v63  }
0x19: {  	_ = 	snop  }
0x1a: {  	[tilespmem:s7], [sflag:$0x1] =	stream.linear.gather [hbm4b:s2+s3], $0xB4, $0x38;
	[tilespmem:$0x10300] =	vst v63  }
0x1b: {  	_ =	swait.ge [sflag:s8], $0x200  }
0x1c: {  	[sflag:s8] =	ssyncset.done $0x0  }
0x1d: {  	[sflag:s8] =	ssyncadd.s32 $0xFFFFFE00  }
0x1e: {  	_ =	swait.ge [sflag:s9], $0xB4  }
0x1f: {  	s12 =	simm.s32 $0x10;
	[sflag:s9] =	ssyncset.done $0x0  }
0x20: {  	s13 =	simm.s32 $0x10;
	s14 =	simm.s32 $0x0;
	[sflag:s9] =	ssyncadd.s32 $0xFFFFFF4C  }
.LBB2_2:
0x21: {  	v2 =	vld [tilespmem:s13+$0x0];
	_ =	sdelay $0x4  }
0x22: {  	vm0 =	vgt.s32 v2, $0x1;
	vm1 =	vgt.s32 v2, $0x2  }
0x23: {  	vm5 =	vgt.s32 v2, $0x3;
	v3 =	vsel vm0, $0x1, v0;
	v4 =	vsel vm1, $0x1, v0  }
0x24: {  	vm6 =	vgt.s32 v2, $0x4;
	v3 =	vadd.s32 v4, v3;
	v4 =	vsel vm5, $0x1, v0  }
0x25: {  	vm7 =	vgt.s32 v2, $0x8;
	v3 =	vadd.s32 v4, v3;
	v4 =	vsel vm6, $0x1, v0  }
0x26: {  	vm8 =	vgt.s32 v2, $0x10;
	v5 =	vsel vm7, $0x1, v0;
	v3 =	vadd.s32 v4, v3  }
0x27: {  	vm9 =	vgt.s32 v2, $0x20;
	v6 =	vsel vm8, $0x1, v0;
	v3 =	vadd.s32 v5, v3  }
0x28: {  	vm10 =	vgt.s32 v2, $0x40;
	v4 =	vld [tilespmem:s13+$0xFFFFFFF0];
	v2 =	vadd.s32 v6, v3;
	v3 =	vsel vm9, $0x1, v0  }
0x29: {  	v5 =	vsel vm10, $0x1, v0;
	v2 =	vadd.s32 v3, v2  }
0x2a: {  	v2 =	vadd.s32 v5, v2  }
0x2b: {  	v6 =	vmov s12;
	v5 =	vmul.u32 $0x14, v2  }
0x2c: {  	v6 =	vshll.u32 v6, $0x7  }
0x2d: {  	v6 =	vor.u32 v1, v6;
	vm3 =	vgt.s32 v4, $0x1;
	vm4 =	vgt.s32 v4, $0x2  }
0x2e: {  	vm11 =	vgt.s32 v4, $0x3;
	v2 =	vsel vm3, $0x1, v0;
	v3 =	vsel vm4, $0x1, v0  }
0x2f: {  	s16 =	sshll.u32 s14, $0x3;
	vm12 =	vgt.s32 v4, $0x4;
	v2 =	vadd.s32 v3, v2;
	v3 =	vsel vm11, $0x1, v0  }
0x30: {  	s15 =	sadd.s32 $0x8, s16;
	s16 =	sadd.s32 $0x2, s16;
	vm13 =	vgt.s32 v4, $0x8;
	v2 =	vadd.s32 v3, v2;
	v3 =	vsel vm12, $0x1, v0  }
0x31: {  	p3 =	slt.u32 s16, s15;
	vm2 =	vgt.s32 v4, $0x10;
	v7 =	vsel vm13, $0x1, v0;
	v2 =	vadd.s32 v3, v2;
	v3 =	vld.idx.msk [tilespmem:v5+s7+$0x0], $0xffff  }
.Ltmp2:
0x32: {  	vm14 =	vgt.s32 v4, $0x20;
	v2 =	vadd.s32 v7, v2;
	v7 =	vsel vm2, $0x1, v0;
	(pc) =	sbr.rel @!p3 .LBB2_3-.Ltmp2, $4  }
0x33: {  	vm15 =	vgt.s32 v4, $0x40;
	v4 =	vsel vm14, $0x1, v0;
	v2 =	vadd.s32 v7, v2  }
0x34: {  	s17 =	sadd.s32 $0xFFFFFFF0, s12;
	v8 =	vsel vm15, $0x1, v0;
	v2 =	vadd.s32 v4, v2  }
0x35: {  	p0 =	por $0x0, $0x0;
	v15 =	vor.u32 $0x3, v6;
	v7 =	vmov s17;
	v2 =	vadd.s32 v8, v2  }
0x36: {  	p1 =	por $0x0, $0x0;
	p2 =	por $0x0, $0x0;
	v51 =	vadd.s32 $0xA, v5;
	s17 =	sadd.s32 $0x20, s12;
	v18 =	vshll.u32 v7, $0x7;
	v7 =	vmul.u32 $0x14, v2;
	[tilespmem:v6+s10+$0x0] =	vst.idx.msk $0xffff, v3  }
0x37: {  	_ =	sdelay $0x4  }
0x38: {  	v8 =	vor.u32 v1, v18;
	v2 =	vld.idx.msk [tilespmem:v7+s7+$0x0], $0xffff  }
0x39: {  	v3 =	vor.u32 $0x1, v7;
	_ =	sdelay $0x2  }
0x3a: {  	s19 =	sadd.s32 $0x20, s13  }
0x3b: {  	v4 =	vld [tilespmem:s19+$0x0];
	[tilespmem:v8+s10+$0x0] =	vst.idx.msk $0xffff, v2  }
0x3c: {  	v2 =	vld.idx.msk [tilespmem:v3+s7+$0x0], $0xffff;
	v3 =	vor.u32 $0x1, v8  }
0x3d: {  	v10 =	vor.u32 $0x2, v7;
	_ =	sdelay $0x1  }
0x3e: {  	v14 =	vor.u32 $0x1, v5  }
0x3f: {  	vm0 =	vgt.s32 v4, $0x1;
	vm1 =	vgt.s32 v4, $0x2;
	vm14 =	vgt.s32 v4, $0x4  }
0x40: {  	v13 =	vld [tilespmem:s19+$0xFFFFFFF0];
	vm15 =	vgt.s32 v4, $0x40;
	vm2 =	vgt.s32 v4, $0x8;
	vm3 =	vgt.s32 v4, $0x3;
	[tilespmem:v3+s10+$0x0] =	vst.idx.msk $0xffff, v2  }
0x41: {  	v11 =	vsel vm0, $0x1, v0;
	v12 =	vsel vm1, $0x1, v0;
	v3 =	vor.u32 $0x2, v8;
	v2 =	vld.idx.msk [tilespmem:v10+s7+$0x0], $0xffff  }
0x42: {  	v11 =	vadd.s32 v12, v11;
	v12 =	vsel vm3, $0x1, v0;
	v10 =	vor.u32 $0x3, v7  }
0x43: {  	vm4 =	vgt.s32 v4, $0x10;
	v11 =	vadd.s32 v12, v11;
	v12 =	vsel vm14, $0x1, v0  }
0x44: {  	vm7 =	vgt.s32 v4, $0x20;
	v4 =	vsel vm2, $0x1, v0;
	v11 =	vadd.s32 v12, v11  }
0x45: {  	v20 =	vor.u32 $0x3, v5;
	v16 =	vsel vm4, $0x1, v0;
	v4 =	vadd.s32 v4, v11  }
0x46: {  	vm9 =	vgt.s32 v13, $0x1;
	[tilespmem:v3+s10+$0x0] =	vst.idx.msk $0xffff, v2;
	v2 =	vadd.s32 v16, v4;
	v3 =	vsel vm7, $0x1, v0  }
0x47: {  	v12 =	vsel vm15, $0x1, v0;
	v4 =	vor.u32 $0x3, v8;
	v10 =	vld.idx.msk [tilespmem:v10+s7+$0x0], $0xffff;
	v2 =	vadd.s32 v3, v2  }
0x48: {  	v14 =	vld.idx.msk [tilespmem:v14+s7+$0x0], $0xffff;
	v11 =	vadd.s32 $0x4, v7;
	v2 =	vadd.s32 v12, v2;
	v12 =	vor.u32 $0x1, v6  }
0x49: {  	vm10 =	vgt.s32 v13, $0x2;
	v3 =	vmul.u32 $0x14, v2;
	v2 =	vor.u32 $0x2, v5  }
0x4a: {  	vm8 =	vgt.s32 v13, $0x3;
	v17 =	vsel vm10, $0x1, v0;
	v16 =	vsel vm9, $0x1, v0  }
0x4b: {  	vm11 =	vgt.s32 v13, $0x4;
	v16 =	vadd.s32 v17, v16;
	v17 =	vsel vm8, $0x1, v0  }
0x4c: {  	vm12 =	vgt.s32 v13, $0x8;
	vm13 =	vgt.s32 v13, $0x10;
	v16 =	vadd.s32 v17, v16;
	[tilespmem:v4+s10+$0x0] =	vst.idx.msk $0xffff, v10  }
0x4d: {  	v4 =	vsel vm11, $0x1, v0;
	v10 =	vld.idx.msk [tilespmem:v11+s7+$0x0], $0xffff;
	v11 =	vor.u32 $0x4, v8;
	[tilespmem:v12+s10+$0x0] =	vst.idx.msk $0xffff, v14;
	v12 =	vmov s17  }
0x4e: {  	s16 =	sadd.s32 $0x2, s16;
	v14 =	vadd.s32 $0x5, v7;
	v17 =	vld.idx.msk [tilespmem:v2+s7+$0x0], $0xffff;
	v2 =	vshll.u32 v12, $0x7;
	v12 =	vor.u32 $0x2, v6  }
0x4f: {  	p3 =	slt.u32 s16, s15;
	v18 =	vsel vm12, $0x1, v0;
	v4 =	vadd.s32 v4, v16;
	v16 =	vld.idx.msk [tilespmem:v3+s7+$0x0], $0xffff;
	v2 =	vor.u32 v1, v2  }
.Ltmp3:
0x50: {  	vm14 =	vgt.s32 v13, $0x20;
	v4 =	vadd.s32 v18, v4;
	v18 =	vsel vm13, $0x1, v0;
	(pc) =	sbr.rel @!p3 .LBB2_5-.Ltmp3, $4  }
0x51: {  	s18 =	sadd.s32 $0xFFFFFFF0, s17;
	vm15 =	vgt.s32 v13, $0x40;
	v13 =	vsel vm14, $0x1, v0;
	v4 =	vadd.s32 v18, v4  }
0x52: {  	v19 =	vsel vm15, $0x1, v0;
	v18 =	vmov s18;
	v4 =	vadd.s32 v13, v4;
	[tilespmem:v11+s10+$0x0] =	vst.idx.msk $0xffff, v10  }
0x53: {  	v34 =	vor.u32 $0x5, v8;
	v18 =	vshll.u32 v18, $0x7;
	v4 =	vadd.s32 v19, v4;
	v31 =	vld.idx.msk [tilespmem:v14+s7+$0x0], $0xffff;
	[tilespmem:v12+s10+$0x0] =	vst.idx.msk $0xffff, v17  }
0x54: {  	p0 =	por $0x1, $0x1;
	s18 =	sadd.s32 $0x20, s17;
	v19 =	vor.u32 $0x3, v2;
	v10 =	vadd.s32 $0xA, v3;
	v12 =	vmul.u32 $0x14, v4;
	[tilespmem:v2+s10+$0x0] =	vst.idx.msk $0xffff, v16;
	v38 =	vld.idx.msk [tilespmem:v20+s7+$0x0], $0xffff  }
0x55: {  	_ = 	snop  }
0x56: {  	v4 =	vadd.s32 $0x4, v5;
	_ =	sdelay $0x1  }
0x57: {  	s19 =	sadd.s32 $0x20, s19  }
0x58: {  	v13 =	vld [tilespmem:s19+$0x0]  }
0x59: {  	v11 =	vor.u32 v1, v18;
	v16 =	vadd.s32 $0x6, v7;
	v14 =	vld.idx.msk [tilespmem:v12+s7+$0x0], $0xffff;
	[tilespmem:v15+s10+$0x0] =	vst.idx.msk $0xffff, v38  }
0x5a: {  	v17 =	vor.u32 $0x4, v6;
	v15 =	vor.u32 $0x1, v12;
	v4 =	vld.idx.msk [tilespmem:v4+s7+$0x0], $0xffff  }
0x5b: {  	v18 =	vadd.s32 $0x5, v5;
	_ =	sdelay $0x1  }
0x5c: {  	v20 =	vor.u32 $0x6, v8;
	v21 =	vadd.s32 $0x7, v7;
	[tilespmem:v34+s10+$0x0] =	vst.idx.msk $0xffff, v31  }
0x5d: {  	v26 =	vor.u32 $0x7, v8;
	v27 =	vadd.s32 $0x8, v5;
	v24 =	vor.u32 $0x2, v12;
	v16 =	vld.idx.msk [tilespmem:v16+s7+$0x0], $0xffff;
	[tilespmem:v11+s10+$0x0] =	vst.idx.msk $0xffff, v14  }
0x5e: {  	vm0 =	vgt.s32 v13, $0x1;
	vm1 =	vgt.s32 v13, $0x2;
	v14 =	vor.u32 $0x1, v11;
	v15 =	vld.idx.msk [tilespmem:v15+s7+$0x0], $0xffff;
	[tilespmem:v17+s10+$0x0] =	vst.idx.msk $0xffff, v4  }
0x5f: {  	v22 =	vsel vm0, $0x1, v0;
	v23 =	vsel vm1, $0x1, v0;
	v17 =	vor.u32 $0x5, v6;
	v4 =	vld.idx.msk [tilespmem:v18+s7+$0x0], $0xffff  }
0x60: {  	v28 =	vor.u32 $0x7, v6;
	v22 =	vadd.s32 v23, v22;
	v23 =	vadd.s32 $0x6, v5  }
0x61: {  	v29 =	vadd.s32 $0x7, v5;
	v32 =	vor.u32 $0x8, v8;
	v30 =	vor.u32 $0x3, v12;
	v18 =	vld [tilespmem:s19+$0xFFFFFFF0]  }
0x62: {  	v31 =	vor.u32 $0x1, v3;
	vm3 =	vgt.s32 v13, $0x4;
	vm8 =	vgt.s32 v13, $0x40;
	[tilespmem:v20+s10+$0x0] =	vst.idx.msk $0xffff, v16  }
0x63: {  	vm4 =	vgt.s32 v13, $0x8;
	vm5 =	vgt.s32 v13, $0x10;
	vm9 =	vgt.s32 v13, $0x20;
	[tilespmem:v14+s10+$0x0] =	vst.idx.msk $0xffff, v15;
	v14 =	vld.idx.msk [tilespmem:v21+s7+$0x0], $0xffff  }
0x64: {  	vm7 =	vgt.s32 v13, $0x3;
	v16 =	vadd.s32 $0x8, v7;
	v15 =	vor.u32 $0x2, v11;
	v24 =	vld.idx.msk [tilespmem:v24+s7+$0x0], $0xffff;
	[tilespmem:v17+s10+$0x0] =	vst.idx.msk $0xffff, v4  }
0x65: {  	v25 =	vsel vm8, $0x1, v0;
	v13 =	vsel vm4, $0x1, v0;
	v20 =	vor.u32 $0x6, v6;
	v4 =	vld.idx.msk [tilespmem:v23+s7+$0x0], $0xffff  }
0x66: {  	v21 =	vadd.s32 $0x9, v7;
	vm6 =	vgt.s32 v18, $0x3;
	v17 =	vsel vm7, $0x1, v0  }
0x67: {  	vm2 =	vgt.s32 v18, $0x4;
	v17 =	vadd.s32 v17, v22;
	v22 =	vsel vm3, $0x1, v0  }
0x68: {  	vm11 =	vgt.s32 v18, $0x1;
	vm12 =	vgt.s32 v18, $0x2;
	[tilespmem:v26+s10+$0x0] =	vst.idx.msk $0xffff, v14;
	v14 =	vadd.s32 v22, v17  }
0x69: {  	v23 =	vsel vm5, $0x1, v0;
	v17 =	vsel vm11, $0x1, v0;
	v16 =	vld.idx.msk [tilespmem:v16+s7+$0x0], $0xffff;
	[tilespmem:v15+s10+$0x0] =	vst.idx.msk $0xffff, v24;
	v13 =	vadd.s32 v13, v14  }
0x6a: {  	v14 =	vor.u32 $0x3, v11;
	v15 =	vld.idx.msk [tilespmem:v30+s7+$0x0], $0xffff;
	[tilespmem:v20+s10+$0x0] =	vst.idx.msk $0xffff, v4;
	v4 =	vadd.s32 v23, v13;
	v13 =	vsel vm9, $0x1, v0  }
0x6b: {  	v22 =	vadd.s32 $0x4, v12;
	v20 =	vsel vm12, $0x1, v0;
	v23 =	vld.idx.msk [tilespmem:v29+s7+$0x0], $0xffff;
	v4 =	vadd.s32 v13, v4  }
0x6c: {  	v13 =	vadd.s32 v20, v17;
	v17 =	vld.idx.msk [tilespmem:v31+s7+$0x0], $0xffff;
	v20 =	vor.u32 $0x1, v2;
	v4 =	vadd.s32 v25, v4  }
0x6d: {  	v24 =	vsel vm6, $0x1, v0;
	v25 =	vor.u32 $0x2, v3;
	v4 =	vmul.u32 $0x14, v4  }
0x6e: {  	vm13 =	vgt.s32 v18, $0x8;
	v13 =	vadd.s32 v24, v13;
	[tilespmem:v32+s10+$0x0] =	vst.idx.msk $0xffff, v16;
	v16 =	vsel vm2, $0x1, v0  }
0x6f: {  	v26 =	vsel vm13, $0x1, v0;
	v24 =	vor.u32 $0x9, v8;
	v29 =	vld.idx.msk [tilespmem:v21+s7+$0x0], $0xffff;
	v13 =	vadd.s32 v16, v13;
	[tilespmem:v14+s10+$0x0] =	vst.idx.msk $0xffff, v15  }
0x70: {  	v14 =	vadd.s32 $0xA, v7;
	v16 =	vor.u32 $0x4, v11;
	v13 =	vadd.s32 v26, v13;
	v15 =	vld.idx.msk [tilespmem:v22+s7+$0x0], $0xffff;
	[tilespmem:v28+s10+$0x0] =	vst.idx.msk $0xffff, v23  }
0x71: {  	v22 =	vadd.s32 $0x5, v12;
	[tilespmem:v20+s10+$0x0] =	vst.idx.msk $0xffff, v17;
	v20 =	vmov s18;
	v23 =	vor.u32 $0x8, v6;
	v17 =	vld.idx.msk [tilespmem:v27+s7+$0x0], $0xffff  }
0x72: {  	s17 =	sadd.s32 $0x2, s16;
	v26 =	vor.u32 $0x2, v2;
	v25 =	vld.idx.msk [tilespmem:v25+s7+$0x0], $0xffff;
	v20 =	vshll.u32 v20, $0x7;
	v27 =	vadd.s32 $0x9, v5  }
0x73: {  	p3 =	slt.u32 s17, s15;
	vm10 =	vgt.s32 v18, $0x10;
	v21 =	vor.u32 v1, v20;
	v20 =	vor.u32 $0x3, v3;
	v30 =	vld.idx.msk [tilespmem:v4+s7+$0x0], $0xffff  }
.Ltmp4:
0x74: {  	v34 =	vor.u32 $0x5, v11;
	vm14 =	vgt.s32 v18, $0x20;
	v28 =	vsel vm10, $0x1, v0;
	[tilespmem:v24+s10+$0x0] =	vst.idx.msk $0xffff, v29;
	(pc) =	sbr.rel @!p3 .LBB2_7-.Ltmp4, $4  }
0x75: {  	s20 =	sadd.s32 $0xFFFFFFF0, s18;
	vm15 =	vgt.s32 v18, $0x40;
	v18 =	vsel vm14, $0x1, v0;
	v13 =	vadd.s32 v28, v13;
	v57 =	vld.idx.msk [tilespmem:v14+s7+$0x0], $0xffff;
	[tilespmem:v16+s10+$0x0] =	vst.idx.msk $0xffff, v15  }
0x76: {  	v18 =	vadd.s32 v18, v13;
	v24 =	vsel vm15, $0x1, v0;
	v14 =	vmov s20;
	v31 =	vld.idx.msk [tilespmem:v22+s7+$0x0], $0xffff;
	[tilespmem:v23+s10+$0x0] =	vst.idx.msk $0xffff, v17  }
0x77: {  	v15 =	vadd.s32 v24, v18;
	v16 =	vor.u32 $0x9, v6;
	v18 =	vshll.u32 v14, $0x7;
	[tilespmem:v26+s10+$0x0] =	vst.idx.msk $0xffff, v25;
	v58 =	vld.idx.msk [tilespmem:v27+s7+$0x0], $0xffff  }
0x78: {  	p1 =	por $0x1, $0x1;
	s18 =	sadd.s32 $0x20, s18;
	v24 =	vmul.u32 $0x14, v15;
	v15 =	vor.u32 $0x3, v21;
	v23 =	vadd.s32 $0xA, v4;
	v38 =	vld.idx.msk [tilespmem:v20+s7+$0x0], $0xffff;
	[tilespmem:v21+s10+$0x0] =	vst.idx.msk $0xffff, v30  }
0x79: {  	_ = 	snop  }
0x7a: {  	v25 =	vor.u32 v1, v18;
	v26 =	vadd.s32 $0x4, v3  }
0x7b: {  	v29 =	vadd.s32 $0x6, v12;
	v20 =	vadd.s32 $0xF, v7;
	v30 =	vor.u32 $0xA, v8  }
0x7c: {  	s16 =	sadd.s32 $0x20, s19;
	v22 =	vor.u32 $0xE, v6;
	v32 =	vadd.s32 $0xB, v7;
	v33 =	vadd.s32 $0xB, v5  }
0x7d: {  	v35 =	vor.u32 $0xD, v6;
	v36 =	vor.u32 $0x4, v2;
	v37 =	vor.u32 $0xB, v8;
	v28 =	vld [tilespmem:s16+$0x0]  }
0x7e: {  	v39 =	vor.u32 $0xA, v6;
	v40 =	vor.u32 $0x6, v11;
	v41 =	vadd.s32 $0x7, v12;
	v43 =	vld.idx.msk [tilespmem:v24+s7+$0x0], $0xffff;
	[tilespmem:$0x1FFD0] =	vst v58  }
0x7f: {  	v42 =	vadd.s32 $0x5, v3;
	v47 =	vor.u32 $0xB, v6;
	v49 =	vor.u32 $0x5, v2;
	[tilespmem:v16+s10+$0x0] =	vst.idx.msk $0xffff, v58  }
0x80: {  	v50 =	vadd.s32 $0xD, v7;
	v53 =	vadd.s32 $0x8, v3;
	v60 =	vadd.s32 $0x8, v12;
	[tilespmem:v19+s10+$0x0] =	vst.idx.msk $0xffff, v38  }
0x81: {  	s20 =	sadd.s32 $0xFFFFFFF0, s18;
	v52 =	vor.u32 $0x6, v2;
	v54 =	vadd.s32 $0x9, v12;
	v55 =	vadd.s32 $0x7, v3;
	[tilespmem:$0x1FFE0] =	vst v51  }
0x82: {  	v17 =	vmov s20;
	v27 =	vor.u32 $0x1, v24;
	v44 =	vor.u32 $0x1, v25;
	v19 =	vld.idx.msk [tilespmem:v51+s7+$0x0], $0xffff  }
0x83: {  	v63 =	vor.u32 $0x2, v24;
	v61 =	vor.u32 $0x2, v25;
	v56 =	vor.u32 $0x3, v24;
	[tilespmem:v34+s10+$0x0] =	vst.idx.msk $0xffff, v31;
	v26 =	vld.idx.msk [tilespmem:v26+s7+$0x0], $0xffff  }
0x84: {  	v18 =	vshll.u32 v17, $0x7;
	v17 =	vadd.s32 $0xE, v5;
	vm0 =	vgt.s32 v28, $0x1;
	v29 =	vld.idx.msk [tilespmem:v29+s7+$0x0], $0xffff;
	[tilespmem:$0x1FFF0] =	vst v57  }
0x85: {  	vm1 =	vgt.s32 v28, $0x2;
	vm2 =	vgt.s32 v28, $0x40;
	vm5 =	vgt.s32 v28, $0x8;
	[tilespmem:v30+s10+$0x0] =	vst.idx.msk $0xffff, v57  }
0x86: {  	vm3 =	vgt.s32 v28, $0x10;
	vm15 =	vgt.s32 v28, $0x20;
	v31 =	vadd.s32 $0xE, v7;
	v32 =	vld.idx.msk [tilespmem:v32+s7+$0x0], $0xffff  }
0x87: {  	v34 =	vadd.s32 $0xD, v5;
	v51 =	vadd.s32 $0x6, v3;
	v30 =	vadd.s32 $0xC, v7;
	v48 =	vld [tilespmem:s16+$0xFFFFFFF0];
	[tilespmem:v25+s10+$0x0] =	vst.idx.msk $0xffff, v43  }
0x88: {  	vm8 =	vgt.s32 v28, $0x3;
	v45 =	vsel vm0, $0x1, v0;
	v46 =	vsel vm1, $0x1, v0;
	v27 =	vld.idx.msk [tilespmem:v27+s7+$0x0], $0xffff;
	[tilespmem:v39+s10+$0x0] =	vst.idx.msk $0xffff, v19  }
0x89: {  	vm1 =	vgt.s32 v28, $0x4;
	v62 =	vsel vm5, $0x1, v0;
	v45 =	vadd.s32 v46, v45;
	[tilespmem:v36+s10+$0x0] =	vst.idx.msk $0xffff, v26;
	v26 =	vld.idx.msk [tilespmem:v33+s7+$0x0], $0xffff  }
0x8a: {  	v46 =	vor.u32 $0xE, v8;
	v43 =	vor.u32 $0xC, v6;
	v19 =	vadd.s32 $0xC, v5;
	v42 =	vld.idx.msk [tilespmem:v42+s7+$0x0], $0xffff;
	[tilespmem:v40+s10+$0x0] =	vst.idx.msk $0xffff, v29  }
0x8b: {  	v57 =	vor.u32 $0x1, v4;
	v39 =	vsel vm2, $0x1, v0;
	v36 =	vor.u32 $0x7, v11;
	v41 =	vld.idx.msk [tilespmem:v41+s7+$0x0], $0xffff;
	[tilespmem:v37+s10+$0x0] =	vst.idx.msk $0xffff, v32  }
0x8c: {  	v33 =	vor.u32 $0xD, v8;
	v29 =	vor.u32 $0xC, v8;
	vm7 =	vgt.s32 v48, $0x3;
	v30 =	vld.idx.msk [tilespmem:v30+s7+$0x0], $0xffff  }
0x8d: {  	vm6 =	vgt.s32 v48, $0x4;
	vm4 =	vgt.s32 v48, $0x40;
	vm2 =	vgt.s32 v48, $0x10;
	[tilespmem:v44+s10+$0x0] =	vst.idx.msk $0xffff, v27  }
0x8e: {  	vm12 =	vgt.s32 v48, $0x1;
	vm13 =	vgt.s32 v48, $0x2;
	vm14 =	vgt.s32 v48, $0x8;
	[tilespmem:v47+s10+$0x0] =	vst.idx.msk $0xffff, v26;
	v26 =	vld.idx.msk [tilespmem:v63+s7+$0x0], $0xffff  }
0x8f: {  	v32 =	vor.u32 $0x7, v2;
	v27 =	vor.u32 $0x8, v11;
	v28 =	vsel vm12, $0x1, v0;
	[tilespmem:v49+s10+$0x0] =	vst.idx.msk $0xffff, v42;
	v19 =	vld.idx.msk [tilespmem:v19+s7+$0x0], $0xffff  }
0x90: {  	v59 =	vsel vm7, $0x1, v0;
	v44 =	vor.u32 $0xF, v6;
	v63 =	vsel vm3, $0x1, v0;
	[tilespmem:v36+s10+$0x0] =	vst.idx.msk $0xffff, v41;
	v49 =	vld.idx.msk [tilespmem:v51+s7+$0x0], $0xffff  }
0x91: {  	v47 =	vor.u32 $0x1, v21;
	v51 =	vsel vm8, $0x1, v0;
	[tilespmem:v29+s10+$0x0] =	vst.idx.msk $0xffff, v30;
	v29 =	vsel vm13, $0x1, v0  }
0x92: {  	v40 =	vld.idx.msk [tilespmem:v60+s7+$0x0], $0xffff;
	v41 =	vadd.s32 v51, v45;
	v28 =	vadd.s32 v29, v28;
	v29 =	vsel vm1, $0x1, v0  }
0x93: {  	v36 =	vadd.s32 $0x12, v7;
	v58 =	vld.idx.msk [tilespmem:v50+s7+$0x0], $0xffff;
	[tilespmem:v61+s10+$0x0] =	vst.idx.msk $0xffff, v26;
	v26 =	vor.u32 $0x3, v25;
	v29 =	vadd.s32 v29, v41  }
0x94: {  	v60 =	vld.idx.msk [tilespmem:v56+s7+$0x0], $0xffff;
	[tilespmem:v43+s10+$0x0] =	vst.idx.msk $0xffff, v19;
	v19 =	vadd.s32 v59, v28;
	v28 =	vadd.s32 v62, v29  }
0x95: {  	v61 =	vsel vm15, $0x1, v0;
	v29 =	vadd.s32 $0x4, v24;
	[tilespmem:v52+s10+$0x0] =	vst.idx.msk $0xffff, v49;
	v34 =	vld.idx.msk [tilespmem:v34+s7+$0x0], $0xffff;
	v28 =	vadd.s32 v63, v28  }
0x96: {  	v45 =	vor.u32 $0x9, v11;
	v30 =	vsel vm14, $0x1, v0;
	v62 =	vld.idx.msk [tilespmem:v55+s7+$0x0], $0xffff;
	v28 =	vadd.s32 v61, v28  }
0x97: {  	vm15 =	vgt.s32 v48, $0x20;
	v63 =	vsel vm6, $0x1, v0;
	[tilespmem:v27+s10+$0x0] =	vst.idx.msk $0xffff, v40;
	v27 =	vld.idx.msk [tilespmem:v57+s7+$0x0], $0xffff;
	v28 =	vadd.s32 v39, v28  }
0x98: {  	v40 =	vld.idx.msk [tilespmem:v54+s7+$0x0], $0xffff;
	v19 =	vadd.s32 v63, v19;
	[tilespmem:v33+s10+$0x0] =	vst.idx.msk $0xffff, v58;
	v52 =	vmul.u32 $0x14, v28;
	v28 =	vor.u32 $0x2, v4  }
0x99: {  	v41 =	vor.u32 $0xF, v8;
	v19 =	vadd.s32 v30, v19;
	v30 =	vsel vm2, $0x1, v0;
	v31 =	vld.idx.msk [tilespmem:v31+s7+$0x0], $0xffff;
	[tilespmem:v26+s10+$0x0] =	vst.idx.msk $0xffff, v60  }
0x9a: {  	v19 =	vadd.s32 v30, v19;
	v30 =	vsel vm15, $0x1, v0;
	v26 =	vadd.s32 $0xA, v12;
	v29 =	vld.idx.msk [tilespmem:v29+s7+$0x0], $0xffff;
	[tilespmem:v35+s10+$0x0] =	vst.idx.msk $0xffff, v34  }
0x9b: {  	v59 =	vor.u32 $0x8, v2;
	v19 =	vadd.s32 v30, v19;
	v30 =	vor.u32 $0x4, v25;
	[tilespmem:v32+s10+$0x0] =	vst.idx.msk $0xffff, v62;
	v56 =	vld.idx.msk [tilespmem:v17+s7+$0x0], $0xffff  }
0x9c: {  	v55 =	vadd.s32 $0x5, v24;
	v54 =	vsel vm4, $0x1, v0;
	v61 =	vor.u32 $0x2, v21;
	[tilespmem:v47+s10+$0x0] =	vst.idx.msk $0xffff, v27;
	v57 =	vld.idx.msk [tilespmem:v53+s7+$0x0], $0xffff  }
0x9d: {  	v58 =	vadd.s32 $0xF, v5;
	v17 =	vadd.s32 v54, v19;
	v19 =	vmov s18;
	v28 =	vld.idx.msk [tilespmem:v28+s7+$0x0], $0xffff  }
0x9e: {  	s17 =	sadd.s32 $0x2, s17;
	v63 =	vor.u32 $0x3, v4;
	v62 =	vadd.s32 $0x9, v3;
	[tilespmem:v45+s10+$0x0] =	vst.idx.msk $0xffff, v40;
	v19 =	vshll.u32 v19, $0x7;
	v60 =	vld.idx.msk [tilespmem:v52+s7+$0x0], $0xffff  }
0x9f: {  	p3 =	slt.u32 s17, s15;
	v33 =	vor.u32 $0x11, v6;
	v17 =	vmul.u32 $0x14, v17;
	[tilespmem:v46+s10+$0x0] =	vst.idx.msk $0xffff, v31;
	v50 =	vor.u32 v1, v19;
	v37 =	vld.idx.msk [tilespmem:v26+s7+$0x0], $0xffff  }
.Ltmp5:
0xa0: {  	v39 =	vadd.s32 $0x11, v5;
	v48 =	vadd.s32 $0xA, v52;
	v27 =	vor.u32 $0x12, v6;
	v40 =	vld.idx.msk [tilespmem:v20+s7+$0x0], $0xffff;
	[tilespmem:v30+s10+$0x0] =	vst.idx.msk $0xffff, v29;
	(pc) =	sbr.rel @!p3 .LBB2_9-.Ltmp5, $4  }
0xa1: {  	v34 =	vor.u32 $0x5, v25;
	v32 =	vadd.s32 $0x12, v5;
	v47 =	vor.u32 $0x9, v2;
	v31 =	vld.idx.msk [tilespmem:v55+s7+$0x0], $0xffff;
	[tilespmem:v22+s10+$0x0] =	vst.idx.msk $0xffff, v56  }
0xa2: {  	v45 =	vadd.s32 $0x10, v7;
	v19 =	vor.u32 $0x13, v6;
	v46 =	vadd.s32 $0x10, v5;
	[tilespmem:v59+s10+$0x0] =	vst.idx.msk $0xffff, v57;
	v42 =	vld.idx.msk [tilespmem:v58+s7+$0x0], $0xffff  }
0xa3: {  	v51 =	vor.u32 $0x3, v50;
	v26 =	vadd.s32 $0x13, v5;
	v20 =	vor.u32 $0x13, v8;
	v43 =	vld.idx.msk [tilespmem:v62+s7+$0x0], $0xffff;
	[tilespmem:v61+s10+$0x0] =	vst.idx.msk $0xffff, v28  }
0xa4: {  	p2 =	por $0x1, $0x1;
	s18 =	sadd.s32 $0x20, s18;
	v29 =	vadd.s32 $0x13, v7;
	v30 =	vmovc v6;
	v22 =	vmov v8;
	v28 =	vmov v7;
	[tilespmem:v50+s10+$0x0] =	vst.idx.msk $0xffff, v60;
	v38 =	vld.idx.msk [tilespmem:v63+s7+$0x0], $0xffff  }
.LBB2_10:
0xa5: {  	s19 =	sadd.s32 $0xFFFFFFF0, s18;
	s17 =	sadd.s32 $0x2, s17;
	v54 =	vld.idx.msk [tilespmem:v17+s7+$0x0], $0xffff;
	s16 =	sadd.s32 $0x20, s16;
	v55 =	vadd.s32 $0x11, v28;
	v56 =	vor.u32 $0x11, v22;
	v53 =	vor.u32 $0x12, v22;
	v35 =	vmovc v4;
	v4 =	vmovc v52  }
0xa6: {  	v57 =	vor.u32 v1, v18;
	v28 =	vmovc v12;
	v12 =	vmovc v24;
	v49 =	vld [tilespmem:s16+$0xFFFFFFF0];
	v52 =	vmov s19;
	p3 =	slt.u32 s17, s15;
	v58 =	vadd.s32 $0x4, v35;
	[tilespmem:v41+s10+$0x0] =	vst.idx.msk $0xffff, v40  }
0xa7: {  	v24 =	vmovc v17;
	v40 =	vor.u32 $0x1, v17;
	v18 =	vshll.u32 v52, $0x7;
	[tilespmem:v34+s10+$0x0] =	vst.idx.msk $0xffff, v31;
	v41 =	vld.idx.msk [tilespmem:v45+s7+$0x0], $0xffff;
	v45 =	vor.u32 $0x10, v30  }
0xa8: {  	v60 =	vor.u32 $0x10, v22;
	v22 =	vmovc v11;
	v11 =	vmovc v25;
	v59 =	vadd.s32 $0x6, v12;
	v31 =	vadd.s32 $0xF, v28;
	v52 =	vld [tilespmem:s16+$0x0];
	[tilespmem:v44+s10+$0x0] =	vst.idx.msk $0xffff, v42  }
0xa9: {  	v17 =	vadd.s32 $0xE, v3;
	v25 =	vmovc v57;
	v34 =	vor.u32 $0xE, v2;
	v42 =	vor.u32 $0xA, v22;
	[tilespmem:v47+s10+$0x0] =	vst.idx.msk $0xffff, v43;
	v43 =	vld.idx.msk [tilespmem:v46+s7+$0x0], $0xffff  }
0xaa: {  	v44 =	vadd.s32 $0xB, v28;
	v47 =	vadd.s32 $0xB, v3;
	[tilespmem:v15+s10+$0x0] =	vst.idx.msk $0xffff, v38;
	v46 =	vld.idx.msk [tilespmem:v10+s7+$0x0], $0xffff;
	v38 =	vor.u32 $0xD, v2;
	v10 =	vmovc v23  }
0xab: {  	v61 =	vor.u32 $0xA, v2;
	v23 =	vmovc v48;
	[tilespmem:v57+s10+$0x0] =	vst.idx.msk $0xffff, v54;
	v54 =	vld.idx.msk [tilespmem:v58+s7+$0x0], $0xffff;
	v57 =	vor.u32 $0x4, v21;
	v58 =	vor.u32 $0xB, v22  }
0xac: {  	v62 =	vadd.s32 $0x7, v12;
	v63 =	vadd.s32 $0x5, v35;
	v30 =	vmovc v2;
	v48 =	vor.u32 $0x6, v11;
	v2 =	vmovc v21;
	v40 =	vld.idx.msk [tilespmem:v40+s7+$0x0], $0xffff  }
0xad: {  	v9 =	vor.u32 $0x1, v25;
	v21 =	vmovc v50;
	vm0 =	vgt.s32 v52, $0x1;
	vm1 =	vgt.s32 v52, $0x2;
	v59 =	vld.idx.msk [tilespmem:v59+s7+$0x0], $0xffff;
	[tilespmem:v60+s10+$0x0] =	vst.idx.msk $0xffff, v41  }
0xae: {  	v15 =	vmovc v51;
	v60 =	vor.u32 $0x2, v24;
	v41 =	vsel vm0, $0x1, v0;
	v50 =	vsel vm1, $0x1, v0;
	[tilespmem:v42+s10+$0x0] =	vst.idx.msk $0xffff, v37;
	v42 =	vld.idx.msk [tilespmem:v55+s7+$0x0], $0xffff  }
0xaf: {  	vm2 =	vgt.s32 v52, $0x40;
	vm1 =	vgt.s32 v52, $0x4;
	v41 =	vadd.s32 v50, v41;
	v44 =	vld.idx.msk [tilespmem:v44+s7+$0x0], $0xffff;
	[tilespmem:v45+s10+$0x0] =	vst.idx.msk $0xffff, v43  }
0xb0: {  	vm3 =	vgt.s32 v52, $0x8;
	vm4 =	vgt.s32 v52, $0x10;
	vm0 =	vgt.s32 v52, $0x20;
	[tilespmem:v61+s10+$0x0] =	vst.idx.msk $0xffff, v46;
	v39 =	vld.idx.msk [tilespmem:v39+s7+$0x0], $0xffff  }
0xb1: {  	v43 =	vadd.s32 $0xC, v28;
	v45 =	vadd.s32 $0xE, v28;
	[tilespmem:v57+s10+$0x0] =	vst.idx.msk $0xffff, v54;
	v46 =	vld.idx.msk [tilespmem:v47+s7+$0x0], $0xffff;
	v47 =	vadd.s32 $0xD, v3  }
0xb2: {  	v37 =	vor.u32 $0xE, v22;
	v50 =	vor.u32 $0xC, v30;
	[tilespmem:v9+s10+$0x0] =	vst.idx.msk $0xffff, v40;
	v9 =	vld.idx.msk [tilespmem:v63+s7+$0x0], $0xffff;
	v40 =	vor.u32 $0xB, v30  }
0xb3: {  	v55 =	vadd.s32 $0xC, v3;
	v54 =	vadd.s32 $0xD, v28;
	v51 =	vld.idx.msk [tilespmem:v60+s7+$0x0], $0xffff;
	[tilespmem:v48+s10+$0x0] =	vst.idx.msk $0xffff, v59;
	v48 =	vor.u32 $0x5, v2  }
0xb4: {  	v61 =	vor.u32 $0xD, v22;
	v57 =	vsel vm2, $0x1, v0;
	v60 =	vadd.s32 $0x6, v35;
	v59 =	vld.idx.msk [tilespmem:v62+s7+$0x0], $0xffff;
	[tilespmem:v56+s10+$0x0] =	vst.idx.msk $0xffff, v42  }
0xb5: {  	v42 =	vor.u32 $0x7, v11;
	v56 =	vadd.s32 $0x8, v35;
	[tilespmem:v58+s10+$0x0] =	vst.idx.msk $0xffff, v44;
	v44 =	vor.u32 $0xC, v22;
	v36 =	vld.idx.msk [tilespmem:v36+s7+$0x0], $0xffff  }
0xb6: {  	v63 =	vor.u32 $0x7, v2;
	v62 =	vor.u32 $0x6, v2;
	v58 =	vadd.s32 $0x8, v12;
	v43 =	vld.idx.msk [tilespmem:v43+s7+$0x0], $0xffff;
	[tilespmem:v33+s10+$0x0] =	vst.idx.msk $0xffff, v39  }
0xb7: {  	v13 =	vadd.s32 $0x7, v35;
	v33 =	vor.u32 $0x2, v25;
	v39 =	vadd.s32 $0x9, v12;
	[tilespmem:v40+s10+$0x0] =	vst.idx.msk $0xffff, v46;
	v32 =	vld.idx.msk [tilespmem:v32+s7+$0x0], $0xffff  }
0xb8: {  	v14 =	vor.u32 $0x8, v11;
	v40 =	vor.u32 $0x3, v24;
	v46 =	vor.u32 $0x1, v4;
	[tilespmem:v48+s10+$0x0] =	vst.idx.msk $0xffff, v9;
	v9 =	vld.idx.msk [tilespmem:v55+s7+$0x0], $0xffff  }
0xb9: {  	vm7 =	vgt.s32 v49, $0x3;
	vm6 =	vgt.s32 v49, $0x4;
	vm5 =	vgt.s32 v49, $0x40;
	v48 =	vld.idx.msk [tilespmem:v60+s7+$0x0], $0xffff  }
0xba: {  	vm2 =	vgt.s32 v49, $0x10;
	v55 =	vsel vm3, $0x1, v0;
	v60 =	vsel vm4, $0x1, v0;
	[tilespmem:v42+s10+$0x0] =	vst.idx.msk $0xffff, v59  }
0xbb: {  	vm8 =	vgt.s32 v52, $0x3;
	vm3 =	vgt.s32 v49, $0x1;
	vm4 =	vgt.s32 v49, $0x2;
	v42 =	vld.idx.msk [tilespmem:v58+s7+$0x0], $0xffff;
	[tilespmem:v53+s10+$0x0] =	vst.idx.msk $0xffff, v36  }
0xbc: {  	v52 =	vsel vm8, $0x1, v0;
	v36 =	vsel vm3, $0x1, v0;
	vm3 =	vgt.s32 v49, $0x8;
	[tilespmem:v44+s10+$0x0] =	vst.idx.msk $0xffff, v43;
	v29 =	vld.idx.msk [tilespmem:v29+s7+$0x0], $0xffff  }
0xbd: {  	v41 =	vadd.s32 v52, v41;
	v43 =	vsel vm4, $0x1, v0;
	v44 =	vsel vm3, $0x1, v0;
	v52 =	vld.idx.msk [tilespmem:v54+s7+$0x0], $0xffff;
	[tilespmem:v27+s10+$0x0] =	vst.idx.msk $0xffff, v32  }
0xbe: {  	v27 =	vadd.s32 v43, v36;
	v32 =	vsel vm1, $0x1, v0;
	[tilespmem:v33+s10+$0x0] =	vst.idx.msk $0xffff, v51;
	v33 =	vor.u32 $0x3, v25;
	v26 =	vld.idx.msk [tilespmem:v26+s7+$0x0], $0xffff  }
0xbf: {  	v36 =	vsel vm7, $0x1, v0;
	v32 =	vadd.s32 v32, v41;
	v41 =	vadd.s32 $0x4, v24;
	v40 =	vld.idx.msk [tilespmem:v40+s7+$0x0], $0xffff;
	[tilespmem:v50+s10+$0x0] =	vst.idx.msk $0xffff, v9  }
0xc0: {  	v9 =	vadd.s32 v36, v27;
	v27 =	vadd.s32 v55, v32;
	[tilespmem:v62+s10+$0x0] =	vst.idx.msk $0xffff, v48;
	v32 =	vld.idx.msk [tilespmem:v47+s7+$0x0], $0xffff  }
0xc1: {  	vm1 =	vgt.s32 v49, $0x20;
	v36 =	vsel vm0, $0x1, v0;
	v27 =	vadd.s32 v60, v27;
	[tilespmem:v14+s10+$0x0] =	vst.idx.msk $0xffff, v42;
	v13 =	vld.idx.msk [tilespmem:v13+s7+$0x0], $0xffff  }
0xc2: {  	v14 =	vsel vm6, $0x1, v0;
	v27 =	vadd.s32 v36, v27;
	v42 =	vor.u32 $0x9, v11;
	v36 =	vld.idx.msk [tilespmem:v46+s7+$0x0], $0xffff;
	[tilespmem:v20+s10+$0x0] =	vst.idx.msk $0xffff, v29  }
0xc3: {  	v20 =	vsel vm5, $0x1, v0;
	v27 =	vadd.s32 v57, v27;
	v29 =	vor.u32 $0x1, v21;
	v39 =	vld.idx.msk [tilespmem:v39+s7+$0x0], $0xffff;
	[tilespmem:v61+s10+$0x0] =	vst.idx.msk $0xffff, v52  }
0xc4: {  	v9 =	vadd.s32 v14, v9;
	v14 =	vor.u32 $0x2, v4;
	v52 =	vmul.u32 $0x14, v27;
	v27 =	vld.idx.msk [tilespmem:v45+s7+$0x0], $0xffff;
	[tilespmem:v19+s10+$0x0] =	vst.idx.msk $0xffff, v26  }
0xc5: {  	v9 =	vadd.s32 v44, v9;
	v19 =	vsel vm2, $0x1, v0;
	v26 =	vadd.s32 $0xA, v12;
	[tilespmem:v33+s10+$0x0] =	vst.idx.msk $0xffff, v40  }
0xc6: {  	v9 =	vadd.s32 v19, v9;
	v19 =	vsel vm1, $0x1, v0;
	v33 =	vld.idx.msk [tilespmem:v41+s7+$0x0], $0xffff;
	v41 =	vadd.s32 $0x5, v24;
	[tilespmem:v38+s10+$0x0] =	vst.idx.msk $0xffff, v32  }
0xc7: {  	v48 =	vadd.s32 $0xA, v52;
	v9 =	vadd.s32 v19, v9;
	v32 =	vor.u32 $0x4, v25;
	[tilespmem:v63+s10+$0x0] =	vst.idx.msk $0xffff, v13;
	v13 =	vld.idx.msk [tilespmem:v17+s7+$0x0], $0xffff  }
0xc8: {  	v38 =	vadd.s32 $0xF, v3;
	v9 =	vadd.s32 v20, v9;
	[tilespmem:v29+s10+$0x0] =	vst.idx.msk $0xffff, v36;
	v36 =	vld.idx.msk [tilespmem:v56+s7+$0x0], $0xffff  }
0xc9: {  	v17 =	vmul.u32 $0x14, v9;
	v9 =	vmov s18;
	v14 =	vld.idx.msk [tilespmem:v14+s7+$0x0], $0xffff;
	[tilespmem:v42+s10+$0x0] =	vst.idx.msk $0xffff, v39;
	v39 =	vor.u32 $0x8, v2  }
0xca: {  	v43 =	vor.u32 $0x2, v21;
	v46 =	vadd.s32 $0x9, v35;
	v9 =	vshll.u32 v9, $0x7;
	v47 =	vld.idx.msk [tilespmem:v52+s7+$0x0], $0xffff;
	[tilespmem:v37+s10+$0x0] =	vst.idx.msk $0xffff, v27  }
0xcb: {  	v19 =	vor.u32 $0x13, v30;
	v50 =	vor.u32 v1, v9;
	v9 =	vor.u32 $0x3, v4;
	v37 =	vld.idx.msk [tilespmem:v26+s7+$0x0], $0xffff  }
.Ltmp6:
0xcc: {  	v29 =	vadd.s32 $0x13, v28;
	v51 =	vor.u32 $0x3, v50;
	v26 =	vadd.s32 $0x13, v3;
	[tilespmem:v32+s10+$0x0] =	vst.idx.msk $0xffff, v33;
	v40 =	vld.idx.msk [tilespmem:v31+s7+$0x0], $0xffff;
	(pc) =	sbr.rel @p3 .LBB2_10-.Ltmp6, $4  }
0xcd: {  	v20 =	vor.u32 $0x13, v22;
	v27 =	vor.u32 $0x12, v30;
	v31 =	vld.idx.msk [tilespmem:v41+s7+$0x0], $0xffff;
	v41 =	vor.u32 $0xF, v22;
	[tilespmem:v34+s10+$0x0] =	vst.idx.msk $0xffff, v13  }
0xce: {  	v44 =	vor.u32 $0xF, v30;
	v45 =	vadd.s32 $0x10, v28;
	v34 =	vor.u32 $0x5, v25;
	[tilespmem:v39+s10+$0x0] =	vst.idx.msk $0xffff, v36;
	v42 =	vld.idx.msk [tilespmem:v38+s7+$0x0], $0xffff  }
0xcf: {  	v33 =	vor.u32 $0x11, v30;
	v32 =	vadd.s32 $0x12, v3;
	[tilespmem:v43+s10+$0x0] =	vst.idx.msk $0xffff, v14;
	v43 =	vld.idx.msk [tilespmem:v46+s7+$0x0], $0xffff;
	v46 =	vadd.s32 $0x10, v3  }
0xd0: {  	s18 =	sadd.s32 $0x20, s18;
	v36 =	vadd.s32 $0x12, v28;
	v39 =	vadd.s32 $0x11, v3;
	v3 =	vmovc v35;
	[tilespmem:v50+s10+$0x0] =	vst.idx.msk $0xffff, v47;
	v38 =	vld.idx.msk [tilespmem:v9+s7+$0x0], $0xffff;
	v47 =	vor.u32 $0x9, v2  }
0xd1: {  	v53 =	vmovc v4;
	v49 =	vmov v12;
	v56 =	vmov v15;
	v15 =	vmov v51;
	v51 =	vld [tilespmem:$0x1FFE0]  }
0xd2: {  	v54 =	vmovc v11;
	v35 =	vmovc v2;
	v55 =	vmov v10;
	v4 =	vmov v52;
	v12 =	vmov v24;
	v57 =	vld [tilespmem:$0x1FFF0]  }
0xd3: {  	v11 =	vmovc v25;
	v25 =	vmovc v23;
	v52 =	vmov v21;
	v10 =	vmov v48;
	v2 =	vmov v50;
	v58 =	vld [tilespmem:$0x1FFD0]  }
.LBB2_12:
0xd4: {  	_ =	sdelay $0x3  }
0xd5: {  	v9 =	vld.idx.msk [tilespmem:v17+s7+$0x0], $0xffff;
	v18 =	vor.u32 v1, v18;
	v14 =	vor.u32 $0x1, v4  }
0xd6: {  	v13 =	vor.u32 $0x1, v17;
	_ =	sdelay $0x3  }
0xd7: {  	v23 =	vor.u32 $0x1, v2;
	[tilespmem:v18+s10+$0x0] =	vst.idx.msk $0xffff, v9;
	v14 =	vld.idx.msk [tilespmem:v14+s7+$0x0], $0xffff  }
0xd8: {  	v24 =	vor.u32 $0x2, v4;
	v61 =	vor.u32 $0x1, v18;
	v9 =	vld.idx.msk [tilespmem:v13+s7+$0x0], $0xffff  }
0xd9: {  	v21 =	vor.u32 $0x2, v17;
	_ =	sdelay $0x2  }
0xda: {  	[tilespmem:v23+s10+$0x0] =	vst.idx.msk $0xffff, v14  }
0xdb: {  	v59 =	vor.u32 $0x2, v2;
	[tilespmem:v61+s10+$0x0] =	vst.idx.msk $0xffff, v9;
	v23 =	vld.idx.msk [tilespmem:v24+s7+$0x0], $0xffff  }
0xdc: {  	v48 =	vor.u32 $0x3, v4;
	v62 =	vor.u32 $0x2, v18;
	v9 =	vld.idx.msk [tilespmem:v21+s7+$0x0], $0xffff  }
0xdd: {  	v63 =	vor.u32 $0x3, v17;
	v21 =	vmov @p0 v53  }
0xde: {  	v50 =	vadd.s32 @p0 $0x4, v21;
	_ =	sdelay $0x1  }
0xdf: {  	[tilespmem:v59+s10+$0x0] =	vst.idx.msk $0xffff, v23  }
0xe0: {  	[tilespmem:v62+s10+$0x0] =	vst.idx.msk $0xffff, v9;
	v24 =	vld.idx.msk [tilespmem:v48+s7+$0x0], $0xffff  }
0xe1: {  	v60 =	vor.u32 $0x3, v18;
	[tilespmem:v56+s10+$0x0] =	vst.idx.msk @p0 $0xffff, v38;
	v62 =	vadd.s32 $0x4, v4;
	v13 =	vld.idx.msk [tilespmem:v63+s7+$0x0], $0xffff  }
0xe2: {  	v61 =	vadd.s32 $0x4, v17;
	v48 =	vld.idx.msk @p0 [tilespmem:v50+s7+$0x0], $0xffff;
	v50 =	vor.u32 @p0 $0x4, v52  }
0xe3: {  	[tilespmem:v41+s10+$0x0] =	vst.idx.msk @p2 $0xffff, v40;
	v40 =	vadd.s32 @p0 $0x5, v21  }
0xe4: {  	[tilespmem:v44+s10+$0x0] =	vst.idx.msk @p2 $0xffff, v42;
	v41 =	vld.idx.msk @p2 [tilespmem:v45+s7+$0x0], $0xffff  }
0xe5: {  	v44 =	vor.u32 @p2 $0x10, v22;
	v45 =	vld.idx.msk @p2 [tilespmem:v46+s7+$0x0], $0xffff;
	[tilespmem:v15+s10+$0x0] =	vst.idx.msk $0xffff, v24  }
0xe6: {  	v28 =	vadd.s32 @p2 $0x11, v28;
	v56 =	vor.u32 $0x4, v2;
	v23 =	vmov @p0 v12;
	[tilespmem:v60+s10+$0x0] =	vst.idx.msk $0xffff, v13;
	v38 =	vld.idx.msk [tilespmem:v62+s7+$0x0], $0xffff  }
0xe7: {  	v46 =	vmov @p0 v52;
	v9 =	vadd.s32 @p0 $0x6, v23;
	v63 =	vor.u32 $0x4, v18;
	[tilespmem:v50+s10+$0x0] =	vst.idx.msk @p0 $0xffff, v48;
	v13 =	vld.idx.msk [tilespmem:v61+s7+$0x0], $0xffff  }
0xe8: {  	[tilespmem:v47+s10+$0x0] =	vst.idx.msk @p1 $0xffff, v43;
	v43 =	vor.u32 @p0 $0x5, v46;
	v59 =	vadd.s32 $0x5, v4;
	v40 =	vld.idx.msk @p0 [tilespmem:v40+s7+$0x0], $0xffff  }
0xe9: {  	[tilespmem:v34+s10+$0x0] =	vst.idx.msk @p0 $0xffff, v31;
	v30 =	vor.u32 @p2 $0x10, v30;
	v53 =	vadd.s32 $0x5, v17;
	v12 =	vmov @p1 v54  }
0xea: {  	v34 =	vld.idx.msk @p1 [tilespmem:v55+s7+$0x0], $0xffff;
	[tilespmem:v44+s10+$0x0] =	vst.idx.msk @p2 $0xffff, v41;
	v47 =	vadd.s32 @p0 $0x6, v21;
	v31 =	vor.u32 @p1 $0xA, v12  }
0xeb: {  	v44 =	vor.u32 @p1 $0xA, v35;
	v28 =	vld.idx.msk @p2 [tilespmem:v28+s7+$0x0], $0xffff;
	v15 =	vmov @p1 v49;
	v24 =	vmov @p0 v11;
	[tilespmem:v56+s10+$0x0] =	vst.idx.msk $0xffff, v38  }
0xec: {  	v9 =	vld.idx.msk @p0 [tilespmem:v9+s7+$0x0], $0xffff;
	v49 =	vadd.s32 @p1 $0xB, v15;
	v42 =	vor.u32 @p0 $0x6, v24;
	[tilespmem:v63+s10+$0x0] =	vst.idx.msk $0xffff, v13  }
0xed: {  	v62 =	vor.u32 $0x5, v2;
	v38 =	vld.idx.msk [tilespmem:v59+s7+$0x0], $0xffff;
	[tilespmem:v43+s10+$0x0] =	vst.idx.msk @p0 $0xffff, v40;
	v43 =	vadd.s32 @p0 $0x7, v23  }
0xee: {  	[tilespmem:v30+s10+$0x0] =	vst.idx.msk @p2 $0xffff, v45;
	v60 =	vor.u32 $0x5, v18;
	v63 =	vadd.s32 $0x6, v4;
	v13 =	vld.idx.msk [tilespmem:v53+s7+$0x0], $0xffff  }
0xef: {  	[tilespmem:v31+s10+$0x0] =	vst.idx.msk @p1 $0xffff, v37;
	v31 =	vor.u32 @p0 $0x6, v46;
	v61 =	vadd.s32 $0x6, v17;
	v37 =	vld.idx.msk @p0 [tilespmem:v47+s7+$0x0], $0xffff  }
0xf0: {  	v45 =	vor.u32 @p2 $0x11, v22;
	v39 =	vld.idx.msk @p2 [tilespmem:v39+s7+$0x0], $0xffff;
	[tilespmem:v44+s10+$0x0] =	vst.idx.msk @p1 $0xffff, v34;
	v30 =	vadd.s32 @p0 $0x7, v21  }
0xf1: {  	[tilespmem:v42+s10+$0x0] =	vst.idx.msk @p0 $0xffff, v9;
	v47 =	vld.idx.msk @p1 [tilespmem:v49+s7+$0x0], $0xffff  }
0xf2: {  	v41 =	vor.u32 @p0 $0x7, v24;
	[tilespmem:v62+s10+$0x0] =	vst.idx.msk $0xffff, v38;
	v40 =	vld.idx.msk @p0 [tilespmem:v43+s7+$0x0], $0xffff  }
0xf3: {  	v52 =	vor.u32 $0x6, v2;
	[tilespmem:v60+s10+$0x0] =	vst.idx.msk $0xffff, v13;
	v38 =	vld.idx.msk [tilespmem:v63+s7+$0x0], $0xffff  }
0xf4: {  	v34 =	vadd.s32 @p0 $0x8, v23;
	v49 =	vor.u32 $0x6, v18;
	[tilespmem:v31+s10+$0x0] =	vst.idx.msk @p0 $0xffff, v37;
	v11 =	vld.idx.msk [tilespmem:v61+s7+$0x0], $0xffff  }
0xf5: {  	[tilespmem:v45+s10+$0x0] =	vst.idx.msk @p2 $0xffff, v28;
	v53 =	vadd.s32 $0x7, v4;
	v37 =	vor.u32 @p0 $0x7, v46;
	v30 =	vld.idx.msk @p0 [tilespmem:v30+s7+$0x0], $0xffff  }
0xf6: {  	[tilespmem:v33+s10+$0x0] =	vst.idx.msk @p2 $0xffff, v39;
	v50 =	vadd.s32 $0x7, v17  }
0xf7: {  	[tilespmem:v41+s10+$0x0] =	vst.idx.msk @p0 $0xffff, v40  }
0xf8: {  	v28 =	vadd.s32 @p0 $0x8, v21;
	v32 =	vld.idx.msk @p2 [tilespmem:v32+s7+$0x0], $0xffff;
	[tilespmem:v52+s10+$0x0] =	vst.idx.msk $0xffff, v38  }
0xf9: {  	v40 =	vor.u32 @p0 $0x8, v24;
	v34 =	vld.idx.msk @p0 [tilespmem:v34+s7+$0x0], $0xffff;
	[tilespmem:v49+s10+$0x0] =	vst.idx.msk $0xffff, v11  }
0xfa: {  	v56 =	vor.u32 $0x7, v2;
	v31 =	vld.idx.msk [tilespmem:v53+s7+$0x0], $0xffff;
	[tilespmem:v37+s10+$0x0] =	vst.idx.msk @p0 $0xffff, v30;
	v37 =	vadd.s32 @p0 $0x9, v23  }
0xfb: {  	v54 =	vor.u32 $0x7, v18;
	v59 =	vadd.s32 $0x8, v4;
	v9 =	vld.idx.msk [tilespmem:v50+s7+$0x0], $0xffff  }
0xfc: {  	v55 =	vadd.s32 $0x8, v17;
	v36 =	vld.idx.msk @p2 [tilespmem:v36+s7+$0x0], $0xffff;
	v42 =	vor.u32 @p1 $0xB, v12  }
0xfd: {  	[tilespmem:v27+s10+$0x0] =	vst.idx.msk @p2 $0xffff, v32;
	v48 =	vadd.s32 @p1 $0xB, v3;
	v41 =	vor.u32 @p0 $0x8, v46;
	v28 =	vld.idx.msk @p0 [tilespmem:v28+s7+$0x0], $0xffff  }
0xfe: {  	v22 =	vor.u32 @p2 $0x12, v22;
	v33 =	vadd.s32 @p0 $0x9, v21;
	v26 =	vld.idx.msk @p2 [tilespmem:v26+s7+$0x0], $0xffff;
	[tilespmem:v40+s10+$0x0] =	vst.idx.msk @p0 $0xffff, v34  }
0xff: {  	v44 =	vadd.s32 @p1 $0xC, v15;
	v34 =	vor.u32 @p0 $0x9, v24;
	[tilespmem:v56+s10+$0x0] =	vst.idx.msk $0xffff, v31;
	v37 =	vld.idx.msk @p0 [tilespmem:v37+s7+$0x0], $0xffff  }
0x100: {  	v62 =	vor.u32 $0x8, v2;
	v38 =	vadd.s32 @p0 $0xA, v23;
	[tilespmem:v54+s10+$0x0] =	vst.idx.msk $0xffff, v9;
	v30 =	vld.idx.msk [tilespmem:v59+s7+$0x0], $0xffff  }
0x101: {  	[tilespmem:v42+s10+$0x0] =	vst.idx.msk @p1 $0xffff, v47;
	v60 =	vor.u32 $0x8, v18;
	v63 =	vadd.s32 $0x9, v4;
	v11 =	vmov @p1 v35;
	v13 =	vld.idx.msk [tilespmem:v55+s7+$0x0], $0xffff  }
0x102: {  	v43 =	vld.idx.msk @p1 [tilespmem:v48+s7+$0x0], $0xffff;
	v61 =	vadd.s32 $0x9, v17;
	v42 =	vor.u32 @p1 $0xB, v11;
	[tilespmem:v41+s10+$0x0] =	vst.idx.msk @p0 $0xffff, v28  }
0x103: {  	[tilespmem:v22+s10+$0x0] =	vst.idx.msk @p2 $0xffff, v36;
	v40 =	vor.u32 @p0 $0x9, v46;
	v33 =	vld.idx.msk @p0 [tilespmem:v33+s7+$0x0], $0xffff  }
0x104: {  	v44 =	vld.idx.msk @p1 [tilespmem:v44+s7+$0x0], $0xffff;
	v22 =	vpsel p0, v40, v16;
	[tilespmem:v34+s10+$0x0] =	vst.idx.msk @p0 $0xffff, v37  }
0x105: {  	v25 =	vpsel p0, v25, v51;
	v8 =	vpsel p0, v24, v8;
	[tilespmem:v62+s10+$0x0] =	vst.idx.msk $0xffff, v30;
	v30 =	vld.idx.msk @p0 [tilespmem:v38+s7+$0x0], $0xffff  }
0x106: {  	v39 =	vadd.s32 @p1 $0xC, v3;
	v45 =	vor.u32 $0x9, v2;
	[tilespmem:v60+s10+$0x0] =	vst.idx.msk $0xffff, v13;
	v28 =	vld.idx.msk [tilespmem:v63+s7+$0x0], $0xffff  }
0x107: {  	v36 =	vor.u32 @p1 $0xC, v12;
	v23 =	vpsel p0, v23, v7;
	[tilespmem:v42+s10+$0x0] =	vst.idx.msk @p1 $0xffff, v43;
	v42 =	vor.u32 $0x9, v18;
	v14 =	vld.idx.msk [tilespmem:v61+s7+$0x0], $0xffff  }
0x108: {  	v7 =	vmovc @p0 v8;
	v8 =	vmovc @p0 v21;
	v21 =	vpsel p0, v46, v6;
	v43 =	vadd.s32 $0xA, v17;
	v31 =	vpsel p0, v33, v58  }
0x109: {  	v6 =	vmov @p0 v23;
	v23 =	vor.u32 @p0 $0xA, v7;
	v16 =	vld.idx.msk @p2 [tilespmem:v29+s7+$0x0], $0xffff;
	v9 =	vadd.s32 @p1 $0xD, v15;
	[tilespmem:v22+s10+$0x0] =	vst.idx.msk @p0 $0xffff, v31  }
0x10a: {  	v8 =	vpsel p0, v8, v5;
	v22 =	vadd.s32 @p0 $0xB, v6;
	v31 =	vor.u32 @p0 $0xA, v21;
	v25 =	vld.idx.msk @p0 [tilespmem:v25+s7+$0x0], $0xffff  }
0x10b: {  	v39 =	vld.idx.msk @p1 [tilespmem:v39+s7+$0x0], $0xffff;
	v34 =	vadd.s32 @p0 $0xB, v8;
	v33 =	vor.u32 @p1 $0xC, v11;
	[tilespmem:v45+s10+$0x0] =	vst.idx.msk $0xffff, v28  }
0x10c: {  	v49 =	vor.u32 $0xA, v2;
	v13 =	vadd.s32 @p1 $0xD, v3;
	v5 =	vpsel p0, v30, v57;
	[tilespmem:v42+s10+$0x0] =	vst.idx.msk $0xffff, v14;
	v10 =	vld.idx.msk [tilespmem:v10+s7+$0x0], $0xffff  }
0x10d: {  	v47 =	vor.u32 $0xA, v18;
	[tilespmem:v36+s10+$0x0] =	vst.idx.msk @p1 $0xffff, v44;
	v50 =	vadd.s32 $0xB, v4;
	v14 =	vld.idx.msk [tilespmem:v43+s7+$0x0], $0xffff  }
0x10e: {  	v48 =	vadd.s32 $0xB, v17;
	v29 =	vor.u32 @p1 $0xD, v12;
	v9 =	vld.idx.msk @p1 [tilespmem:v9+s7+$0x0], $0xffff;
	[tilespmem:v23+s10+$0x0] =	vst.idx.msk @p0 $0xffff, v5  }
0x10f: {  	v32 =	vor.u32 @p0 $0xB, v7;
	v30 =	vadd.s32 @p1 $0xE, v15;
	v22 =	vld.idx.msk @p0 [tilespmem:v22+s7+$0x0], $0xffff;
	v5 =	vmov @p0 v21;
	[tilespmem:v31+s10+$0x0] =	vst.idx.msk @p0 $0xffff, v25  }
0x110: {  	[tilespmem:v33+s10+$0x0] =	vst.idx.msk @p1 $0xffff, v39;
	v25 =	vadd.s32 @p0 $0xC, v6;
	v31 =	vld.idx.msk @p0 [tilespmem:v34+s7+$0x0], $0xffff;
	v33 =	vor.u32 @p0 $0xB, v5  }
0x111: {  	v36 =	vadd.s32 @p0 $0xC, v8;
	v13 =	vld.idx.msk @p1 [tilespmem:v13+s7+$0x0], $0xffff;
	v34 =	vor.u32 @p1 $0xD, v35;
	[tilespmem:v49+s10+$0x0] =	vst.idx.msk $0xffff, v10  }
0x112: {  	v53 =	vor.u32 $0xB, v2;
	[tilespmem:v47+s10+$0x0] =	vst.idx.msk $0xffff, v14;
	v14 =	vadd.s32 @p1 $0xE, v3;
	v10 =	vld.idx.msk [tilespmem:v50+s7+$0x0], $0xffff  }
0x113: {  	v51 =	vor.u32 $0xB, v18;
	v54 =	vadd.s32 $0xC, v4;
	[tilespmem:v29+s10+$0x0] =	vst.idx.msk @p1 $0xffff, v9;
	v27 =	vld.idx.msk [tilespmem:v48+s7+$0x0], $0xffff  }
0x114: {  	v52 =	vadd.s32 $0xC, v17;
	v28 =	vor.u32 @p1 $0xE, v12;
	v29 =	vld.idx.msk @p1 [tilespmem:v30+s7+$0x0], $0xffff;
	[tilespmem:v32+s10+$0x0] =	vst.idx.msk @p0 $0xffff, v22  }
0x115: {  	v30 =	vadd.s32 @p1 $0xF, v15;
	v32 =	vor.u32 @p0 $0xC, v7;
	v25 =	vld.idx.msk @p0 [tilespmem:v25+s7+$0x0], $0xffff;
	[tilespmem:v33+s10+$0x0] =	vst.idx.msk @p0 $0xffff, v31  }
0x116: {  	[tilespmem:v34+s10+$0x0] =	vst.idx.msk @p1 $0xffff, v13;
	v13 =	vor.u32 @p0 $0xC, v5;
	v31 =	vadd.s32 @p0 $0xD, v6;
	v33 =	vld.idx.msk @p0 [tilespmem:v36+s7+$0x0], $0xffff  }
0x117: {  	v34 =	vor.u32 @p1 $0xE, v35;
	v35 =	vadd.s32 @p0 $0xD, v8;
	v14 =	vld.idx.msk @p1 [tilespmem:v14+s7+$0x0], $0xffff;
	[tilespmem:v53+s10+$0x0] =	vst.idx.msk $0xffff, v10  }
0x118: {  	v24 =	vadd.s32 @p1 $0xF, v3;
	v56 =	vor.u32 $0xC, v2;
	[tilespmem:v51+s10+$0x0] =	vst.idx.msk $0xffff, v27;
	v22 =	vld.idx.msk [tilespmem:v54+s7+$0x0], $0xffff  }
0x119: {  	v55 =	vor.u32 $0xC, v18;
	v58 =	vadd.s32 $0xD, v4;
	[tilespmem:v28+s10+$0x0] =	vst.idx.msk @p1 $0xffff, v29;
	v9 =	vld.idx.msk [tilespmem:v52+s7+$0x0], $0xffff  }
0x11a: {  	v57 =	vadd.s32 $0xD, v17;
	v28 =	vld.idx.msk @p1 [tilespmem:v30+s7+$0x0], $0xffff;
	[tilespmem:v32+s10+$0x0] =	vst.idx.msk @p0 $0xffff, v25  }
0x11b: {  	v29 =	vor.u32 @p0 $0xD, v7;
	v30 =	vld.idx.msk @p0 [tilespmem:v31+s7+$0x0], $0xffff;
	[tilespmem:v13+s10+$0x0] =	vst.idx.msk @p0 $0xffff, v33  }
0x11c: {  	v13 =	vor.u32 @p0 $0xD, v21;
	v31 =	vld.idx.msk @p0 [tilespmem:v35+s7+$0x0], $0xffff;
	[tilespmem:v34+s10+$0x0] =	vst.idx.msk @p1 $0xffff, v14;
	v14 =	vadd.s32 @p0 $0xE, v6  }
0x11d: {  	v44 =	vadd.s32 $0x10, v17;
	v33 =	vadd.s32 @p0 $0xE, v8;
	v24 =	vld.idx.msk @p1 [tilespmem:v24+s7+$0x0], $0xffff;
	[tilespmem:v56+s10+$0x0] =	vst.idx.msk $0xffff, v22  }
0x11e: {  	v59 =	vor.u32 $0xD, v18;
	v37 =	vor.u32 @p0 $0xE, v7;
	v60 =	vor.u32 $0xD, v2;
	[tilespmem:v55+s10+$0x0] =	vst.idx.msk $0xffff, v9;
	v25 =	vld.idx.msk [tilespmem:v58+s7+$0x0], $0xffff  }
0x11f: {  	[tilespmem:v20+s10+$0x0] =	vst.idx.msk @p2 $0xffff, v16;
	v16 =	vadd.s32 @p0 $0x10, v6;
	v62 =	vadd.s32 $0xE, v4;
	v10 =	vor.u32 @p1 $0xF, v11;
	v23 =	vld.idx.msk [tilespmem:v57+s7+$0x0], $0xffff  }
0x120: {  	v61 =	vadd.s32 $0xE, v17;
	v10 =	vpsel p1, v10, v0;
	[tilespmem:v29+s10+$0x0] =	vst.idx.msk @p0 $0xffff, v30;
	v30 =	vadd.s32 @p1 $0x10, v3  }
0x121: {  	v38 =	vpsel p1, v11, v0;
	v29 =	vpsel p1, v30, v0;
	[tilespmem:v13+s10+$0x0] =	vst.idx.msk @p0 $0xffff, v31;
	v14 =	vld.idx.msk @p0 [tilespmem:v14+s7+$0x0], $0xffff  }
0x122: {  	[tilespmem:v19+s10+$0x0] =	vst.idx.msk @p2 $0xffff, v26;
	v16 =	vpsel p0, v16, v0;
	v21 =	vor.u32 @p0 $0xE, v21;
	v31 =	vadd.s32 @p0 $0xF, v6;
	v33 =	vld.idx.msk @p0 [tilespmem:v33+s7+$0x0], $0xffff  }
0x123: {  	v39 =	vadd.s32 @p0 $0xF, v8;
	v27 =	vadd.s32 @p1 $0x10, v15;
	v9 =	vor.u32 @p1 $0xF, v12;
	[tilespmem:v60+s10+$0x0] =	vst.idx.msk $0xffff, v25  }
0x124: {  	v9 =	vpsel p1, v9, v0;
	v24 =	vpsel p1, v24, v0;
	[tilespmem:v59+s10+$0x0] =	vst.idx.msk $0xffff, v23;
	v25 =	vld.idx.msk [tilespmem:v62+s7+$0x0], $0xffff  }
0x125: {  	v40 =	vadd.s32 $0xF, v17;
	v63 =	vor.u32 $0xE, v18;
	v27 =	vpsel p1, v27, v0;
	[tilespmem:v10+s10+$0x0] =	vst.idx.msk @p1 $0xffff, v24;
	v35 =	vld.idx.msk [tilespmem:v61+s7+$0x0], $0xffff  }
0x126: {  	v41 =	vor.u32 $0xE, v2;
	v42 =	vadd.s32 $0xF, v4;
	v36 =	vpsel p1, v15, v0;
	v29 =	vld.idx.msk @p1 [tilespmem:v29+s7+$0x0], $0xffff;
	[tilespmem:v37+s10+$0x0] =	vst.idx.msk @p0 $0xffff, v14  }
0x127: {  	v34 =	vor.u32 @p1 $0x10, v38;
	v30 =	vadd.s32 @p1 $0x11, v36;
	v36 =	vor.u32 @p0 $0xF, v7;
	[tilespmem:v21+s10+$0x0] =	vst.idx.msk @p0 $0xffff, v33;
	v31 =	vld.idx.msk @p0 [tilespmem:v31+s7+$0x0], $0xffff  }
0x128: {  	v28 =	vpsel p1, v28, v0;
	v21 =	vor.u32 @p0 $0xF, v5;
	v33 =	vpsel p0, v36, v0;
	v20 =	vld.idx.msk @p0 [tilespmem:v39+s7+$0x0], $0xffff  }
0x129: {  	v13 =	vpsel p1, v12, v0;
	[tilespmem:v9+s10+$0x0] =	vst.idx.msk @p1 $0xffff, v28;
	v36 =	vadd.s32 @p0 $0x10, v8;
	v21 =	vpsel p0, v21, v0  }
0x12a: {  	v19 =	vor.u32 @p1 $0x10, v13;
	v28 =	vadd.s32 @p1 $0x11, v3;
	v27 =	vld.idx.msk @p1 [tilespmem:v27+s7+$0x0], $0xffff;
	[tilespmem:v63+s10+$0x0] =	vst.idx.msk $0xffff, v35;
	v35 =	vpsel p0, v36, v0  }
0x12b: {  	v45 =	vor.u32 $0xF, v2;
	v43 =	vor.u32 $0xF, v18;
	v28 =	vpsel p1, v28, v0;
	[tilespmem:v41+s10+$0x0] =	vst.idx.msk $0xffff, v25;
	v9 =	vld.idx.msk [tilespmem:v40+s7+$0x0], $0xffff  }
0x12c: {  	v10 =	vpsel p0, v6, v0;
	[tilespmem:v34+s10+$0x0] =	vst.idx.msk @p1 $0xffff, v29;
	v14 =	vld.idx.msk [tilespmem:v42+s7+$0x0], $0xffff;
	v24 =	vpsel p0, v31, v0  }
0x12d: {  	v46 =	vadd.s32 $0x10, v4;
	v20 =	vpsel p0, v20, v0;
	v31 =	vpsel p0, v7, v0;
	[tilespmem:v33+s10+$0x0] =	vst.idx.msk @p0 $0xffff, v24  }
0x12e: {  	v32 =	vadd.s32 @p1 $0x13, v15;
	[tilespmem:v21+s10+$0x0] =	vst.idx.msk @p0 $0xffff, v20;
	v33 =	vpsel p0, v5, v0;
	v37 =	vor.u32 @p0 $0x10, v31;
	v16 =	vld.idx.msk @p0 [tilespmem:v16+s7+$0x0], $0xffff  }
0x12f: {  	v10 =	vadd.s32 @p0 $0x11, v10;
	[tilespmem:v19+s10+$0x0] =	vst.idx.msk @p1 $0xffff, v27;
	v20 =	vadd.s32 @p0 $0x11, v8;
	v21 =	vor.u32 @p0 $0x10, v33;
	v33 =	vld.idx.msk @p0 [tilespmem:v35+s7+$0x0], $0xffff  }
0x130: {  	v23 =	vor.u32 @p1 $0x11, v11;
	v28 =	vld.idx.msk @p1 [tilespmem:v28+s7+$0x0], $0xffff;
	[tilespmem:v43+s10+$0x0] =	vst.idx.msk $0xffff, v9;
	v9 =	vadd.s32 @p1 $0x12, v15;
	v15 =	vpsel p0, v20, v0  }
0x131: {  	v23 =	vpsel p1, v23, v0;
	v27 =	vld.idx.msk @p1 [tilespmem:v30+s7+$0x0], $0xffff;
	[tilespmem:v45+s10+$0x0] =	vst.idx.msk $0xffff, v14  }
0x132: {  	v50 =	vor.u32 $0x10, v2;
	v25 =	vld.idx.msk [tilespmem:v46+s7+$0x0], $0xffff  }
0x133: {  	v49 =	vadd.s32 $0x11, v17;
	v48 =	vor.u32 $0x10, v18;
	v51 =	vadd.s32 $0x11, v4;
	v47 =	vld.idx.msk [tilespmem:v44+s7+$0x0], $0xffff;
	[tilespmem:v37+s10+$0x0] =	vst.idx.msk @p0 $0xffff, v16  }
0x134: {  	v34 =	vadd.s32 @p0 $0x12, v6;
	v30 =	vor.u32 @p0 $0x11, v5;
	v35 =	vor.u32 @p0 $0x11, v31;
	v10 =	vld.idx.msk @p0 [tilespmem:v10+s7+$0x0], $0xffff;
	[tilespmem:v21+s10+$0x0] =	vst.idx.msk @p0 $0xffff, v33  }
0x135: {  	v30 =	vpsel p0, v30, v0;
	v16 =	vadd.s32 @p0 $0x12, v8;
	v21 =	vpsel p0, v34, v0;
	v15 =	vld.idx.msk @p0 [tilespmem:v15+s7+$0x0], $0xffff  }
0x136: {  	v24 =	vadd.s32 @p1 $0x12, v3;
	[tilespmem:v23+s10+$0x0] =	vst.idx.msk @p1 $0xffff, v28;
	v16 =	vpsel p0, v16, v0  }
0x137: {  	v53 =	vor.u32 $0x11, v2;
	v26 =	vor.u32 @p1 $0x11, v13;
	v24 =	vpsel p1, v24, v0;
	[tilespmem:v50+s10+$0x0] =	vst.idx.msk $0xffff, v25  }
0x138: {  	v54 =	vadd.s32 $0x12, v17;
	v6 =	vadd.s32 @p0 $0x13, v6;
	v9 =	vpsel p1, v9, v0;
	[tilespmem:v48+s10+$0x0] =	vst.idx.msk $0xffff, v47;
	v55 =	vld.idx.msk [tilespmem:v51+s7+$0x0], $0xffff  }
0x139: {  	v52 =	vor.u32 $0x11, v18;
	v56 =	vadd.s32 $0x12, v4;
	v6 =	vpsel p0, v6, v0;
	v14 =	vld.idx.msk [tilespmem:v49+s7+$0x0], $0xffff;
	[tilespmem:v35+s10+$0x0] =	vst.idx.msk @p0 $0xffff, v10  }
0x13a: {  	v3 =	vadd.s32 @p1 $0x13, v3;
	v28 =	vor.u32 @p0 $0x12, v31;
	v10 =	vor.u32 @p0 $0x12, v5;
	v21 =	vld.idx.msk @p0 [tilespmem:v21+s7+$0x0], $0xffff;
	[tilespmem:v30+s10+$0x0] =	vst.idx.msk @p0 $0xffff, v15  }
0x13b: {  	v20 =	vor.u32 @p1 $0x12, v11;
	v8 =	vadd.s32 @p0 $0x13, v8;
	v10 =	vpsel p0, v10, v0;
	v15 =	vld.idx.msk @p0 [tilespmem:v16+s7+$0x0], $0xffff  }
0x13c: {  	[tilespmem:v26+s10+$0x0] =	vst.idx.msk @p1 $0xffff, v27;
	v20 =	vpsel p1, v20, v0;
	v24 =	vld.idx.msk @p1 [tilespmem:v24+s7+$0x0], $0xffff;
	v8 =	vpsel p0, v8, v0  }
0x13d: {  	v13 =	vor.u32 @p1 $0x12, v13;
	v3 =	vpsel p1, v3, v0;
	v9 =	vld.idx.msk @p1 [tilespmem:v9+s7+$0x0], $0xffff;
	[tilespmem:v53+s10+$0x0] =	vst.idx.msk $0xffff, v55  }
0x13e: {  	v60 =	vor.u32 $0x12, v2;
	v19 =	vpsel p1, v32, v0;
	[tilespmem:v52+s10+$0x0] =	vst.idx.msk $0xffff, v14;
	v61 =	vld.idx.msk [tilespmem:v56+s7+$0x0], $0xffff  }
0x13f: {  	v57 =	vor.u32 $0x12, v18;
	v62 =	vadd.s32 $0x13, v4;
	v7 =	vor.u32 @p0 $0x13, v7;
	v58 =	vld.idx.msk [tilespmem:v54+s7+$0x0], $0xffff;
	[tilespmem:v28+s10+$0x0] =	vst.idx.msk @p0 $0xffff, v21  }
0x140: {  	v59 =	vadd.s32 $0x13, v17;
	v7 =	vpsel p0, v7, v0;
	v5 =	vor.u32 @p0 $0x13, v5;
	v6 =	vld.idx.msk @p0 [tilespmem:v6+s7+$0x0], $0xffff;
	[tilespmem:v10+s10+$0x0] =	vst.idx.msk @p0 $0xffff, v15  }
0x141: {  	v11 =	vor.u32 @p1 $0x13, v11;
	[tilespmem:v20+s10+$0x0] =	vst.idx.msk @p1 $0xffff, v24;
	v5 =	vpsel p0, v5, v0;
	v8 =	vld.idx.msk @p0 [tilespmem:v8+s7+$0x0], $0xffff  }
0x142: {  	v12 =	vor.u32 @p1 $0x13, v12;
	v11 =	vpsel p1, v11, v0;
	v3 =	vld.idx.msk @p1 [tilespmem:v3+s7+$0x0], $0xffff;
	[tilespmem:v13+s10+$0x0] =	vst.idx.msk @p1 $0xffff, v9  }
0x143: {  	v12 =	vpsel p1, v12, v0;
	v19 =	vld.idx.msk @p1 [tilespmem:v19+s7+$0x0], $0xffff;
	[tilespmem:v60+s10+$0x0] =	vst.idx.msk $0xffff, v61  }
0x144: {  	v2 =	vor.u32 $0x13, v2;
	[tilespmem:v57+s10+$0x0] =	vst.idx.msk $0xffff, v58;
	v4 =	vld.idx.msk [tilespmem:v62+s7+$0x0], $0xffff  }
0x145: {  	s15 =	sshll.u32 s14, $0xE;
	s16 =	sshll.u32 s14, $0xB;
	s14 =	sadd.s32 $0x1, s14;
	v63 =	vor.u32 $0x13, v18;
	v9 =	vld.idx.msk [tilespmem:v59+s7+$0x0], $0xffff;
	[tilespmem:v7+s10+$0x0] =	vst.idx.msk @p0 $0xffff, v6  }
0x146: {  	[tilespmem:v5+s10+$0x0] =	vst.idx.msk @p0 $0xffff, v8;
	p0 =	sne.s32 s14, $0x4  }
.Ltmp7:
0x147: {  	[tilespmem:v11+s10+$0x0] =	vst.idx.msk @p1 $0xffff, v3;
	(pc) =	sbr.rel @p0 .LBB2_2-.Ltmp7, $4  }
.Ltmp8:
0x148: {  	[tilespmem:v12+s10+$0x0] =	vst.idx.msk @p1 $0xffff, v19;
	(pc) =	sbr.rel @!p0 .LBB2_13-.Ltmp8, $4  }
0x149: {  	s13 =	sadd.s32 $0x80, s13;
	s15 =	sand.u32 $0x3FFFC000, s15;
	[tilespmem:v2+s10+$0x0] =	vst.idx.msk $0xffff, v4  }
0x14a: {  	s12 =	sadd.s32 $0x80, s12;
	s16 =	sadd.s32 s16, s5;
	s15 =	sor.u32 $0x300, s15;
	[tilespmem:v63+s10+$0x0] =	vst.idx.msk $0xffff, v9  }
0x14b: {  	[hbm4b:s16+s3] =	stream.linear.scatter [tilespmem:s15], [sflag:$0x1], $0x4000, $0x38;
	[tilespmem:$0x10300] =	vst v63  }
0x14c: {  	_ = 	snop  }
.LBB2_3:
.Ltmp9:
0x14d: {  	(pc) =	sbr.rel .LBB2_12-.Ltmp9, $2  }
0x14e: {  	_ =	sdelay $0x2  }
0x14f: {  	v4 =	vmovc v5;
	v10 =	vmov v51;
	v2 =	vmov v6;
	v17 =	vmov v7  }
.LBB2_5:
.Ltmp10:
0x150: {  	(pc) =	sbr.rel .LBB2_12-.Ltmp10, $3  }
0x151: {  	_ =	sdelay $0x1  }
0x152: {  	v53 =	vmovc v5;
	v4 =	vmov v3;
	v11 =	vmov v8;
	v56 =	vmov v15  }
0x153: {  	v25 =	vmovc v51;
	v52 =	vmovc v6;
	v15 =	vmov v19;
	v17 =	vmov v12;
	v12 =	vmov v7  }
.LBB2_7:
.Ltmp11:
0x154: {  	(pc) =	sbr.rel .LBB2_12-.Ltmp11, $4  }
0x155: {  	_ = 	snop  }
0x156: {  	v53 =	vmovc v3;
	v25 =	vmovc v10;
	v52 =	vmov v2;
	v49 =	vmov v7;
	v54 =	vmov v8  }
0x157: {  	v47 =	vmovc v16;
	v3 =	vmovc v5;
	v35 =	vmov v6;
	v56 =	vmov v19;
	v55 =	vmov v51  }
0x158: {  	v10 =	vmovc v23;
	v2 =	vmovc v21;
	v17 =	vmov v24;
	v37 =	vmov v57;
	v43 =	vmov v58  }
.LBB2_9:
.Ltmp12:
0x159: {  	(pc) =	sbr.rel .LBB2_12-.Ltmp12, $4  }
0x15a: {  	v53 =	vmov v4;
	v49 =	vmov v12  }
0x15b: {  	v54 =	vmovc v11;
	v35 =	vmovc v2;
	v56 =	vmov v15;
	v55 =	vmov v10;
	v15 =	vmov v51;
	v51 =	vld [tilespmem:$0x1FFE0]  }
0x15c: {  	v28 =	vmovc v7;
	v22 =	vmovc v8;
	v4 =	vmov v52;
	v12 =	vmov v24;
	v30 =	vmov v6;
	v57 =	vld [tilespmem:$0x1FFF0]  }
0x15d: {  	v11 =	vmovc v25;
	v25 =	vmovc v23;
	v52 =	vmov v21;
	v10 =	vmov v48;
	v2 =	vmov v50;
	v58 =	vld [tilespmem:$0x1FFD0]  }
.LBB2_14:
0x15e: {  	_ =	sfence.sel $0x180000  }
0x15f: {  	[bflag:$0x0] =	sbarrier.arrive $0xFFFF  }
0x160: {  	p0 =	sne.s32 s1, $0x0;
	_ =	strace $0x90000047  }
0x161: {  	s0 =	sadd.s32 @!p0 $0x100000, s0;
	[bflag:$0x2] =	sbarrier.arrive $0xFFFF  }
0x162: {  	[sflag:s0] =	ssyncadd.tile.s32 @!p0 $0x1;
	_ =	shalt  }
.Lfunc_end2:
_tile_overlayer_lowered:
.L_overlay_start_2:
0x163: {  	(tag) =	ssettag $0x2  }
0x164: {  	s0 =	rddreg [dreg:$0x0];
	s2 =	stileid.u32  }
0x165: {  	s1 =	rddreg [dreg:$0x1];
	p0 =	sne.s32 s2, $0x0  }
0x166: {  	s3 =	rddreg [dreg:$0x2];
	[bflag:$0x3] =	sbarrier.arrive $0xFFFF;
	s2 =	simm.s32 @!p0 $0x1C03  }
0x167: {  	[timem:s3], [sflag:s2] =	dma.local @!p0 [hbm:s0], s1  }
0x168: {  	s0 =	simm.s32 @!p0 $0x3  }
0x169: {  	_ =	swait.ge @!p0 [sflag:s0], s1  }
0x16a: {  	s1 =	ssub.s32 @!p0 $0x0, s1;
	[sflag:s0] =	ssyncset.done @!p0 $0x0  }
0x16b: {  	[sflag:s0] =	ssyncadd.s32 @!p0 s1  }
0x16c: {  	[bflag:$0x3] =	sbarrier.arrive $0xFFFF  }
0x16d: {  	_ =	shalt  }

</sc_bundles>
